<compile_context>
chip_gen: v7x
topology: tpu7x:2x2x1
jax: 0.10.2.dev20260603
libtpu: 0.0.44.dev20260713+nightly
codegen_flags: <defaults>
</compile_context>

<pallas_src>
import functools

import jax
import jax.numpy as jnp
from jax import lax
from jax.experimental import pallas as pl
from jax.experimental.pallas import tpu as pltpu
from jax.experimental.pallas import tpu_sc as plsc

N = 10000
E = 320000
D = 128

NC = 2
NS = 16
NW = NC * NS
EC = 128
KJ = 80
KJH = 40
EPAD = NW * EC * KJ
NP = 10240
RPW = NP // NS
BLK = 1024


def _mesh():
    return plsc.VectorSubcoreMesh(core_axis_name="c", subcore_axis_name="s")



@functools.partial(
    pl.kernel,
    mesh=_mesh(),
    out_type=jax.ShapeDtypeStruct((NC, NP, D), jnp.float32),
    scratch_types=[
        pltpu.VMEM((KJH, EC), jnp.int32),
        pltpu.VMEM((EC, D), jnp.float32),
        pltpu.VMEM_SHARED((NP, D), jnp.float32),
        pltpu.SemaphoreType.DMA,
    ],
)
def _sc_deg(dst_hbm, z_hbm, ones_hbm, out_hbm, dst_v, ones_v, acc, sem):
    c = lax.axis_index("c")
    s = lax.axis_index("s")
    w = s * NC + c
    for kk in range(RPW // EC):
        pltpu.sync_copy(z_hbm, acc.at[pl.ds(s * RPW + kk * EC, EC)])
    pltpu.sync_copy(ones_hbm, ones_v)
    plsc.subcore_barrier()
    for q in range(KJ // KJH):
        pltpu.sync_copy(dst_hbm.at[pl.ds(w * KJ + q * KJH, KJH)], dst_v)

        def fire(j, carry):
            pltpu.async_copy(ones_v, acc.at[dst_v.at[j]], sem, add=True)
            return carry

        lax.fori_loop(0, KJH, fire, 0)

        def drain(j, carry):
            pltpu.make_async_copy(ones_v, acc.at[dst_v.at[0]], sem).wait()
            return carry

        lax.fori_loop(0, KJH, drain, 0)
    plsc.subcore_barrier()
    pltpu.sync_copy(acc.at[pl.ds(s * RPW, RPW)],
                    out_hbm.at[c, pl.ds(s * RPW, RPW)])



@functools.partial(
    pl.kernel,
    mesh=_mesh(),
    out_type=jax.ShapeDtypeStruct((NC, NP, D), jnp.float32),
    scratch_types=[
        pltpu.VMEM((KJH, EC), jnp.int32),
        pltpu.VMEM((KJH, EC), jnp.int32),
        pltpu.VMEM((2, EC, D), jnp.float32),
        pltpu.VMEM_SHARED((NP, D), jnp.float32),
        pltpu.SemaphoreType.DMA,
        pltpu.SemaphoreType.DMA,
    ],
)
def _sc_agg(y_hbm, z_hbm, src_hbm, dst_hbm, out_hbm,
            src_v, dst_v, rows_v, acc, sem_g, sem_s):
    c = lax.axis_index("c")
    s = lax.axis_index("s")
    w = s * NC + c
    for kk in range(RPW // EC):
        pltpu.sync_copy(z_hbm, acc.at[pl.ds(s * RPW + kk * EC, EC)])
    plsc.subcore_barrier()

    for q in range(KJ // KJH):
        base = w * KJ + q * KJH
        pltpu.sync_copy(src_hbm.at[pl.ds(base, KJH)], src_v)
        pltpu.sync_copy(dst_hbm.at[pl.ds(base, KJH)], dst_v)
        pltpu.async_copy(y_hbm.at[src_v.at[0]], rows_v.at[0], sem_g)

        def body(j, carry):
            b = lax.rem(j, 2)
            nb = lax.rem(j + 1, 2)
            pltpu.make_async_copy(y_hbm.at[src_v.at[j]], rows_v.at[b],
                                  sem_g).wait()

            @pl.when(j >= 1)
            def _wait_prev_scatter():
                pltpu.make_async_copy(rows_v.at[nb], acc.at[dst_v.at[j - 1]],
                                      sem_s).wait()

            @pl.when(j < KJH - 1)
            def _start_next_gather():
                pltpu.async_copy(y_hbm.at[src_v.at[j + 1]], rows_v.at[nb],
                                 sem_g)

            pltpu.async_copy(rows_v.at[b], acc.at[dst_v.at[j]], sem_s,
                             add=True)
            return carry

        lax.fori_loop(0, KJH, body, 0)
        pltpu.make_async_copy(rows_v.at[(KJH - 1) % 2],
                              acc.at[dst_v.at[KJH - 1]], sem_s).wait()
    plsc.subcore_barrier()
    pltpu.sync_copy(acc.at[pl.ds(s * RPW, RPW)],
                    out_hbm.at[c, pl.ds(s * RPW, RPW)])



def _dis(deg_ref):
    return lax.rsqrt(deg_ref[0, :, 0:1] + deg_ref[1, :, 0:1] + 1.0)


def _tc1_body(deg_ref, x_ref, w_ref, y_ref):
    y_ref[...] = jnp.dot(x_ref[...], w_ref[...],
                         preferred_element_type=jnp.float32) * _dis(deg_ref)


def _tc2_body(deg_ref, a_ref, y_ref, b_ref, w_ref, o_ref):
    dis = _dis(deg_ref)
    pre = (a_ref[0] + a_ref[1] + y_ref[...]) * dis + b_ref[...]
    h = jnp.maximum(pre, 0.0)
    o_ref[...] = jnp.dot(h, w_ref[...],
                         preferred_element_type=jnp.float32) * dis


def _tc3_body(deg_ref, a_ref, y_ref, b_ref, o_ref):
    pre = (a_ref[0] + a_ref[1] + y_ref[...]) * _dis(deg_ref) + b_ref[...]
    o_ref[...] = jnp.maximum(pre, 0.0)


_DEG_SPEC = pl.BlockSpec((NC, BLK, 8), lambda i: (0, i, 0))
_AGG_SPEC = pl.BlockSpec((NC, BLK, D), lambda i: (0, i, 0))
_ROW_SPEC = pl.BlockSpec((BLK, D), lambda i: (i, 0))
_W_SPEC = pl.BlockSpec((D, D), lambda i: (0, 0))
_B_SPEC = pl.BlockSpec((1, D), lambda i: (0, 0))
_OUT = jax.ShapeDtypeStruct((NP, D), jnp.float32)
_GRID = (NP // BLK,)


def _tc1(deg2, xp, W1):
    return pl.pallas_call(
        _tc1_body, grid=_GRID,
        in_specs=[_DEG_SPEC, _ROW_SPEC, _W_SPEC],
        out_specs=_ROW_SPEC, out_shape=_OUT)(deg2, xp, W1)


def _tc2(deg2, agg, y, b, W):
    return pl.pallas_call(
        _tc2_body, grid=_GRID,
        in_specs=[_DEG_SPEC, _AGG_SPEC, _ROW_SPEC, _B_SPEC, _W_SPEC],
        out_specs=_ROW_SPEC, out_shape=_OUT)(deg2, agg, y, b, W)


def _tc3(deg2, agg, y, b):
    return pl.pallas_call(
        _tc3_body, grid=_GRID,
        in_specs=[_DEG_SPEC, _AGG_SPEC, _ROW_SPEC, _B_SPEC],
        out_specs=_ROW_SPEC, out_shape=_OUT)(deg2, agg, y, b)


def kernel(x, edge_index, W1, b1, W2, b2):
    src = edge_index[0]
    dst = edge_index[1]
    padi = (N + jnp.arange(EPAD - E, dtype=jnp.int32) % (NP - N)).astype(jnp.int32)
    srcp = jnp.concatenate([src, padi]).reshape(EPAD // EC, EC)
    dstp = jnp.concatenate([dst, padi]).reshape(EPAD // EC, EC)
    xp = jnp.pad(x, ((0, NP - N), (0, 0)))
    z128 = jnp.zeros((EC, D), jnp.float32)
    ones128 = jnp.ones((EC, D), jnp.float32)

    deg2 = _sc_deg(dstp, z128, ones128)
    degc = deg2[:, :, :8]
    y1 = _tc1(degc, xp, W1)
    agg1 = _sc_agg(y1, z128, srcp, dstp)
    y2 = _tc2(degc, agg1, y1, b1.reshape(1, D), W2)
    agg2 = _sc_agg(y2, z128, srcp, dstp)
    out = _tc3(degc, agg2, y2, b2.reshape(1, D))
    return out[:N]

# --- scband reference (transcript-rebuilt; emitter-appended) ---
"""Pipeline reference for scband-two-layer-gcn-10204842295478 (READ-ONLY COPY).

The authoritative reference and input builder live on the scoring server;
editing this copy changes nothing except your own understanding.
"""

import jax, jax.numpy as jnp
import numpy as np

N = 10000
E = 320000
D_IN = 128
D_HID = 128
D_OUT = 128


def _gcn_conv(x, edge_index, W, b):
    # PyG GCNConv semantics: add self loops, symmetric normalization,
    # message = norm * (x @ W)[src], aggregate sum at dst, then add bias.
    src = edge_index[0]
    dst = edge_index[1]
    loop = jnp.arange(N, dtype=src.dtype)
    src = jnp.concatenate([src, loop])
    dst = jnp.concatenate([dst, loop])
    ones = jnp.ones(src.shape[0], dtype=x.dtype)
    deg = jnp.zeros((N,), dtype=x.dtype).at[dst].add(ones)
    deg_inv_sqrt = jnp.where(deg > 0, deg ** -0.5, 0.0)
    norm = deg_inv_sqrt[src] * deg_inv_sqrt[dst]
    xw = x @ W
    msg = xw[src] * norm[:, None]
    out = jnp.zeros((N, W.shape[1]), dtype=x.dtype).at[dst].add(msg)
    return out + b


def setup_inputs(seed: int = 0) -> dict:
    key = jax.random.key(seed)
    k1, k2, k3, k4, k5, k6 = jax.random.split(key, 6)
    x = jax.random.normal(k1, (N, D_IN), dtype=jnp.float32)
    edge_index = jax.random.randint(k2, (2, E), 0, N, dtype=jnp.int32)
    W1 = jax.random.normal(k3, (D_IN, D_HID), dtype=jnp.float32) * (1.0 / np.sqrt(D_IN))
    b1 = jnp.zeros((D_HID,), dtype=jnp.float32)
    W2 = jax.random.normal(k4, (D_HID, D_OUT), dtype=jnp.float32) * (1.0 / np.sqrt(D_HID))
    b2 = jnp.zeros((D_OUT,), dtype=jnp.float32)
    return {"x": x, "edge_index": edge_index, "W1": W1, "b1": b1, "W2": W2, "b2": b2}


def reference(x, edge_index, W1, b1, W2, b2):
    # conv1 -> relu -> dropout(p=0, eval mode: identity) -> conv2 -> relu
    h = _gcn_conv(x, edge_index, W1, b1)
    h = jax.nn.relu(h)
    h = _gcn_conv(h, edge_index, W2, b2)
    h = jax.nn.relu(h)
    return h

if __name__ == "__main__":
    import jax
    _d = setup_inputs()
    print(jax.jit(kernel)(*tuple(_d.values())))

</pallas_src>

<mosaic_0001>
#map = affine_map<(d0, d1) -> (0, 0)>
#map1 = affine_map<(d0, d1) -> (0, 0, 0)>
module attributes {stable_mosaic.version = 14 : i64} {
  func.func @_sc_deg(%arg0: i32, %arg1: i32, %arg2: memref<2560x128xi32, #tpu.memory_space<hbm>>, %arg3: memref<128x128xf32, #tpu.memory_space<hbm>>, %arg4: memref<128x128xf32, #tpu.memory_space<hbm>>, %arg5: memref<2x10240x128xf32, #tpu.memory_space<hbm>>, %arg6: memref<40x128xi32, #tpu.memory_space<vmem>>, %arg7: memref<128x128xf32, #tpu.memory_space<vmem>>, %arg8: memref<10240x128xf32, #tpu.memory_space<vmem_shared>>, %arg9: memref<!tpu.dma_semaphore, #tpu.memory_space<semaphore_mem>>) attributes {dimension_semantics = [#tpu.dimension_semantics<core_parallel>, #tpu.dimension_semantics<subcore_parallel>], iteration_bounds = array<i64: 2, 16>, scalar_prefetch = 0 : i64, scratch_operands = 4 : i64, tpu.core_type = #tpu.core_type<sc_vector_subcore>, window_params = [{transform_indices = #map}, {transform_indices = #map}, {transform_indices = #map}, {transform_indices = #map1}]} {
    %mul3A = arith.constant 2 : i32
    %mul3A_0 = arith.muli %arg1, %mul3A : i32
    %add3A = arith.addi %mul3A_0, %arg0 : i32
    %mul3A_1 = arith.constant 640 : i32
    %mul3A_2 = arith.muli %arg1, %mul3A_1 : i32
    %add3A_3 = arith.constant 0 : i32
    %add3A_4 = arith.addi %mul3A_2, %add3A_3 : i32
    "tpu.region"() ({
      %run_scoped3A = tpu.sem_alloc : memref<!tpu.dma_semaphore, #tpu.memory_space<semaphore_mem>>
      %dma_start3A = arith.constant 0 : i32
      %dma_start3A_57 = tpu.memref_slice %arg8[%add3A_4, %dma_start3A] : memref<10240x128xf32, #tpu.memory_space<vmem_shared>> -> memref<128x128xf32, #tpu.memory_space<vmem_shared>>
      tpu.enqueue_dma source(%arg3 : memref<128x128xf32, #tpu.memory_space<hbm>>) target(%dma_start3A_57 : memref<128x128xf32, #tpu.memory_space<vmem_shared>>) target_semaphore(%run_scoped3A : memref<!tpu.dma_semaphore, #tpu.memory_space<semaphore_mem>>)
      %dma_wait3A = arith.constant 0 : i32
      %dma_wait3A_58 = tpu.memref_slice %arg8[%add3A_4, %dma_wait3A] : memref<10240x128xf32, #tpu.memory_space<vmem_shared>> -> memref<128x128xf32, #tpu.memory_space<vmem_shared>>
      tpu.wait_dma2 semaphore(%run_scoped3A : memref<!tpu.dma_semaphore, #tpu.memory_space<semaphore_mem>>) src(%arg3 : memref<128x128xf32, #tpu.memory_space<hbm>>) dst(%dma_wait3A_58 : memref<128x128xf32, #tpu.memory_space<vmem_shared>>)
      tpu.yield
    }) : () -> ()
    %mul3A_5 = arith.constant 640 : i32
    %mul3A_6 = arith.muli %arg1, %mul3A_5 : i32
    %add3A_7 = arith.constant 128 : i32
    %add3A_8 = arith.addi %mul3A_6, %add3A_7 : i32
    "tpu.region"() ({
      %run_scoped3A = tpu.sem_alloc : memref<!tpu.dma_semaphore, #tpu.memory_space<semaphore_mem>>
      %dma_start3A = arith.constant 0 : i32
      %dma_start3A_57 = tpu.memref_slice %arg8[%add3A_8, %dma_start3A] : memref<10240x128xf32, #tpu.memory_space<vmem_shared>> -> memref<128x128xf32, #tpu.memory_space<vmem_shared>>
      tpu.enqueue_dma source(%arg3 : memref<128x128xf32, #tpu.memory_space<hbm>>) target(%dma_start3A_57 : memref<128x128xf32, #tpu.memory_space<vmem_shared>>) target_semaphore(%run_scoped3A : memref<!tpu.dma_semaphore, #tpu.memory_space<semaphore_mem>>)
      %dma_wait3A = arith.constant 0 : i32
      %dma_wait3A_58 = tpu.memref_slice %arg8[%add3A_8, %dma_wait3A] : memref<10240x128xf32, #tpu.memory_space<vmem_shared>> -> memref<128x128xf32, #tpu.memory_space<vmem_shared>>
      tpu.wait_dma2 semaphore(%run_scoped3A : memref<!tpu.dma_semaphore, #tpu.memory_space<semaphore_mem>>) src(%arg3 : memref<128x128xf32, #tpu.memory_space<hbm>>) dst(%dma_wait3A_58 : memref<128x128xf32, #tpu.memory_space<vmem_shared>>)
      tpu.yield
    }) : () -> ()
    %mul3A_9 = arith.constant 640 : i32
    %mul3A_10 = arith.muli %arg1, %mul3A_9 : i32
    %add3A_11 = arith.constant 256 : i32
    %add3A_12 = arith.addi %mul3A_10, %add3A_11 : i32
    "tpu.region"() ({
      %run_scoped3A = tpu.sem_alloc : memref<!tpu.dma_semaphore, #tpu.memory_space<semaphore_mem>>
      %dma_start3A = arith.constant 0 : i32
      %dma_start3A_57 = tpu.memref_slice %arg8[%add3A_12, %dma_start3A] : memref<10240x128xf32, #tpu.memory_space<vmem_shared>> -> memref<128x128xf32, #tpu.memory_space<vmem_shared>>
      tpu.enqueue_dma source(%arg3 : memref<128x128xf32, #tpu.memory_space<hbm>>) target(%dma_start3A_57 : memref<128x128xf32, #tpu.memory_space<vmem_shared>>) target_semaphore(%run_scoped3A : memref<!tpu.dma_semaphore, #tpu.memory_space<semaphore_mem>>)
      %dma_wait3A = arith.constant 0 : i32
      %dma_wait3A_58 = tpu.memref_slice %arg8[%add3A_12, %dma_wait3A] : memref<10240x128xf32, #tpu.memory_space<vmem_shared>> -> memref<128x128xf32, #tpu.memory_space<vmem_shared>>
      tpu.wait_dma2 semaphore(%run_scoped3A : memref<!tpu.dma_semaphore, #tpu.memory_space<semaphore_mem>>) src(%arg3 : memref<128x128xf32, #tpu.memory_space<hbm>>) dst(%dma_wait3A_58 : memref<128x128xf32, #tpu.memory_space<vmem_shared>>)
      tpu.yield
    }) : () -> ()
    %mul3A_13 = arith.constant 640 : i32
    %mul3A_14 = arith.muli %arg1, %mul3A_13 : i32
    %add3A_15 = arith.constant 384 : i32
    %add3A_16 = arith.addi %mul3A_14, %add3A_15 : i32
    "tpu.region"() ({
      %run_scoped3A = tpu.sem_alloc : memref<!tpu.dma_semaphore, #tpu.memory_space<semaphore_mem>>
      %dma_start3A = arith.constant 0 : i32
      %dma_start3A_57 = tpu.memref_slice %arg8[%add3A_16, %dma_start3A] : memref<10240x128xf32, #tpu.memory_space<vmem_shared>> -> memref<128x128xf32, #tpu.memory_space<vmem_shared>>
      tpu.enqueue_dma source(%arg3 : memref<128x128xf32, #tpu.memory_space<hbm>>) target(%dma_start3A_57 : memref<128x128xf32, #tpu.memory_space<vmem_shared>>) target_semaphore(%run_scoped3A : memref<!tpu.dma_semaphore, #tpu.memory_space<semaphore_mem>>)
      %dma_wait3A = arith.constant 0 : i32
      %dma_wait3A_58 = tpu.memref_slice %arg8[%add3A_16, %dma_wait3A] : memref<10240x128xf32, #tpu.memory_space<vmem_shared>> -> memref<128x128xf32, #tpu.memory_space<vmem_shared>>
      tpu.wait_dma2 semaphore(%run_scoped3A : memref<!tpu.dma_semaphore, #tpu.memory_space<semaphore_mem>>) src(%arg3 : memref<128x128xf32, #tpu.memory_space<hbm>>) dst(%dma_wait3A_58 : memref<128x128xf32, #tpu.memory_space<vmem_shared>>)
      tpu.yield
    }) : () -> ()
    %mul3A_17 = arith.constant 640 : i32
    %mul3A_18 = arith.muli %arg1, %mul3A_17 : i32
    %add3A_19 = arith.constant 512 : i32
    %add3A_20 = arith.addi %mul3A_18, %add3A_19 : i32
    "tpu.region"() ({
      %run_scoped3A = tpu.sem_alloc : memref<!tpu.dma_semaphore, #tpu.memory_space<semaphore_mem>>
      %dma_start3A = arith.constant 0 : i32
      %dma_start3A_57 = tpu.memref_slice %arg8[%add3A_20, %dma_start3A] : memref<10240x128xf32, #tpu.memory_space<vmem_shared>> -> memref<128x128xf32, #tpu.memory_space<vmem_shared>>
      tpu.enqueue_dma source(%arg3 : memref<128x128xf32, #tpu.memory_space<hbm>>) target(%dma_start3A_57 : memref<128x128xf32, #tpu.memory_space<vmem_shared>>) target_semaphore(%run_scoped3A : memref<!tpu.dma_semaphore, #tpu.memory_space<semaphore_mem>>)
      %dma_wait3A = arith.constant 0 : i32
      %dma_wait3A_58 = tpu.memref_slice %arg8[%add3A_20, %dma_wait3A] : memref<10240x128xf32, #tpu.memory_space<vmem_shared>> -> memref<128x128xf32, #tpu.memory_space<vmem_shared>>
      tpu.wait_dma2 semaphore(%run_scoped3A : memref<!tpu.dma_semaphore, #tpu.memory_space<semaphore_mem>>) src(%arg3 : memref<128x128xf32, #tpu.memory_space<hbm>>) dst(%dma_wait3A_58 : memref<128x128xf32, #tpu.memory_space<vmem_shared>>)
      tpu.yield
    }) : () -> ()
    "tpu.region"() ({
      %run_scoped3A = tpu.sem_alloc : memref<!tpu.dma_semaphore, #tpu.memory_space<semaphore_mem>>
      tpu.enqueue_dma source(%arg4 : memref<128x128xf32, #tpu.memory_space<hbm>>) target(%arg7 : memref<128x128xf32, #tpu.memory_space<vmem>>) target_semaphore(%run_scoped3A : memref<!tpu.dma_semaphore, #tpu.memory_space<semaphore_mem>>)
      tpu.wait_dma2 semaphore(%run_scoped3A : memref<!tpu.dma_semaphore, #tpu.memory_space<semaphore_mem>>) src(%arg4 : memref<128x128xf32, #tpu.memory_space<hbm>>) dst(%arg7 : memref<128x128xf32, #tpu.memory_space<vmem>>)
      tpu.yield
    }) : () -> ()
    %barrier3A = arith.constant 0 : index
    tpu.barrier barrier_id(%barrier3A)
    %mul3A_21 = arith.constant 80 : i32
    %mul3A_22 = arith.muli %add3A, %mul3A_21 : i32
    %add3A_23 = arith.constant 0 : i32
    %add3A_24 = arith.addi %mul3A_22, %add3A_23 : i32
    "tpu.region"() ({
      %run_scoped3A = tpu.sem_alloc : memref<!tpu.dma_semaphore, #tpu.memory_space<semaphore_mem>>
      %dma_start3A = arith.constant 0 : i32
      %dma_start3A_57 = tpu.memref_slice %arg2[%add3A_24, %dma_start3A] : memref<2560x128xi32, #tpu.memory_space<hbm>> -> memref<40x128xi32, #tpu.memory_space<hbm>>
      %dma_start3A_58 = arith.constant 0 : i32
      %dma_start3A_59 = tpu.memref_slice %arg2[%add3A_24, %dma_start3A_58] : memref<2560x128xi32, #tpu.memory_space<hbm>> -> memref<40x128xi32, #tpu.memory_space<hbm>>
      tpu.enqueue_dma source(%dma_start3A_59 : memref<40x128xi32, #tpu.memory_space<hbm>>) target(%arg6 : memref<40x128xi32, #tpu.memory_space<vmem>>) target_semaphore(%run_scoped3A : memref<!tpu.dma_semaphore, #tpu.memory_space<semaphore_mem>>)
      %dma_wait3A = arith.constant 0 : i32
      %dma_wait3A_60 = tpu.memref_slice %arg2[%add3A_24, %dma_wait3A] : memref<2560x128xi32, #tpu.memory_space<hbm>> -> memref<40x128xi32, #tpu.memory_space<hbm>>
      %dma_wait3A_61 = arith.constant 0 : i32
      %dma_wait3A_62 = tpu.memref_slice %arg2[%add3A_24, %dma_wait3A_61] : memref<2560x128xi32, #tpu.memory_space<hbm>> -> memref<40x128xi32, #tpu.memory_space<hbm>>
      tpu.wait_dma2 semaphore(%run_scoped3A : memref<!tpu.dma_semaphore, #tpu.memory_space<semaphore_mem>>) src(%dma_wait3A_62 : memref<40x128xi32, #tpu.memory_space<hbm>>) dst(%arg6 : memref<40x128xi32, #tpu.memory_space<vmem>>)
      tpu.yield
    }) : () -> ()
    %scan3A = arith.constant 0 : i32
    %scan3A_25 = arith.constant 0 : i32
    %scan3A_26 = arith.constant 40 : i32
    %scan3A_27 = arith.addi %scan3A_25, %scan3A_26 : i32
    %scan3A_28 = arith.constant 1 : i32
    scf.for %scan3A_57 = %scan3A_25 to %scan3A_27 step %scan3A_28  : i32 {
      %dma_start3A = arith.constant 0 : i32
      %dma_start3A_58 = tpu.memref_slice %arg6[%scan3A_57, %dma_start3A] : memref<40x128xi32, #tpu.memory_space<vmem>> -> memref<1x128xi32, #tpu.memory_space<vmem>>
      %dma_start3A_59 = tpu.memref_squeeze %dma_start3A_58 : memref<1x128xi32, #tpu.memory_space<vmem>> -> memref<128xi32, #tpu.memory_space<vmem>>
      %dma_start3A_60 = arith.constant 0 : i32
      %dma_start3A_61 = arith.constant 0 : i32
      %dma_start3A_62 = tpu.memref_slice %arg8[%dma_start3A_60, %dma_start3A_61] : memref<10240x128xf32, #tpu.memory_space<vmem_shared>> -> memref<10240x128xf32, #tpu.memory_space<vmem_shared>>
      tpu.enqueue_indirect_dma source(%arg7 : memref<128x128xf32, #tpu.memory_space<vmem>>) target(%dma_start3A_62 : memref<10240x128xf32, #tpu.memory_space<vmem_shared>>) offsets(%dma_start3A_59 : memref<128xi32, #tpu.memory_space<vmem>>) semaphore(%arg9 : memref<!tpu.dma_semaphore, #tpu.memory_space<semaphore_mem>>) {add = true}
    }
    %scan3A_29 = arith.constant 40 : i32
    %scan3A_30 = arith.constant 0 : i32
    %scan3A_31 = arith.constant 0 : i32
    %scan3A_32 = arith.constant 40 : i32
    %scan3A_33 = arith.addi %scan3A_31, %scan3A_32 : i32
    %scan3A_34 = arith.constant 1 : i32
    scf.for %scan3A_57 = %scan3A_31 to %scan3A_33 step %scan3A_34  : i32 {
      %dma_wait3A = arith.constant 0 : i32
      %dma_wait3A_58 = arith.constant 0 : i32
      %dma_wait3A_59 = tpu.memref_slice %arg6[%dma_wait3A, %dma_wait3A_58] : memref<40x128xi32, #tpu.memory_space<vmem>> -> memref<1x128xi32, #tpu.memory_space<vmem>>
      %dma_wait3A_60 = tpu.memref_squeeze %dma_wait3A_59 : memref<1x128xi32, #tpu.memory_space<vmem>> -> memref<128xi32, #tpu.memory_space<vmem>>
      %dma_wait3A_61 = arith.constant 0 : i32
      %dma_wait3A_62 = arith.constant 0 : i32
      %dma_wait3A_63 = tpu.memref_slice %arg8[%dma_wait3A_61, %dma_wait3A_62] : memref<10240x128xf32, #tpu.memory_space<vmem_shared>> -> memref<10240x128xf32, #tpu.memory_space<vmem_shared>>
      tpu.wait_indirect_dma semaphore(%arg9 : memref<!tpu.dma_semaphore, #tpu.memory_space<semaphore_mem>>) src(%arg7 : memref<128x128xf32, #tpu.memory_space<vmem>>) dst(%dma_wait3A_63 : memref<10240x128xf32, #tpu.memory_space<vmem_shared>>)
    }
    %scan3A_35 = arith.constant 40 : i32
    %mul3A_36 = arith.constant 80 : i32
    %mul3A_37 = arith.muli %add3A, %mul3A_36 : i32
    %add3A_38 = arith.constant 40 : i32
    %add3A_39 = arith.addi %mul3A_37, %add3A_38 : i32
    "tpu.region"() ({
      %run_scoped3A = tpu.sem_alloc : memref<!tpu.dma_semaphore, #tpu.memory_space<semaphore_mem>>
      %dma_start3A = arith.constant 0 : i32
      %dma_start3A_57 = tpu.memref_slice %arg2[%add3A_39, %dma_start3A] : memref<2560x128xi32, #tpu.memory_space<hbm>> -> memref<40x128xi32, #tpu.memory_space<hbm>>
      %dma_start3A_58 = arith.constant 0 : i32
      %dma_start3A_59 = tpu.memref_slice %arg2[%add3A_39, %dma_start3A_58] : memref<2560x128xi32, #tpu.memory_space<hbm>> -> memref<40x128xi32, #tpu.memory_space<hbm>>
      tpu.enqueue_dma source(%dma_start3A_59 : memref<40x128xi32, #tpu.memory_space<hbm>>) target(%arg6 : memref<40x128xi32, #tpu.memory_space<vmem>>) target_semaphore(%run_scoped3A : memref<!tpu.dma_semaphore, #tpu.memory_space<semaphore_mem>>)
      %dma_wait3A = arith.constant 0 : i32
      %dma_wait3A_60 = tpu.memref_slice %arg2[%add3A_39, %dma_wait3A] : memref<2560x128xi32, #tpu.memory_space<hbm>> -> memref<40x128xi32, #tpu.memory_space<hbm>>
      %dma_wait3A_61 = arith.constant 0 : i32
      %dma_wait3A_62 = tpu.memref_slice %arg2[%add3A_39, %dma_wait3A_61] : memref<2560x128xi32, #tpu.memory_space<hbm>> -> memref<40x128xi32, #tpu.memory_space<hbm>>
      tpu.wait_dma2 semaphore(%run_scoped3A : memref<!tpu.dma_semaphore, #tpu.memory_space<semaphore_mem>>) src(%dma_wait3A_62 : memref<40x128xi32, #tpu.memory_space<hbm>>) dst(%arg6 : memref<40x128xi32, #tpu.memory_space<vmem>>)
      tpu.yield
    }) : () -> ()
    %scan3A_40 = arith.constant 0 : i32
    %scan3A_41 = arith.constant 0 : i32
    %scan3A_42 = arith.constant 40 : i32
    %scan3A_43 = arith.addi %scan3A_41, %scan3A_42 : i32
    %scan3A_44 = arith.constant 1 : i32
    scf.for %scan3A_57 = %scan3A_41 to %scan3A_43 step %scan3A_44  : i32 {
      %dma_start3A = arith.constant 0 : i32
      %dma_start3A_58 = tpu.memref_slice %arg6[%scan3A_57, %dma_start3A] : memref<40x128xi32, #tpu.memory_space<vmem>> -> memref<1x128xi32, #tpu.memory_space<vmem>>
      %dma_start3A_59 = tpu.memref_squeeze %dma_start3A_58 : memref<1x128xi32, #tpu.memory_space<vmem>> -> memref<128xi32, #tpu.memory_space<vmem>>
      %dma_start3A_60 = arith.constant 0 : i32
      %dma_start3A_61 = arith.constant 0 : i32
      %dma_start3A_62 = tpu.memref_slice %arg8[%dma_start3A_60, %dma_start3A_61] : memref<10240x128xf32, #tpu.memory_space<vmem_shared>> -> memref<10240x128xf32, #tpu.memory_space<vmem_shared>>
      tpu.enqueue_indirect_dma source(%arg7 : memref<128x128xf32, #tpu.memory_space<vmem>>) target(%dma_start3A_62 : memref<10240x128xf32, #tpu.memory_space<vmem_shared>>) offsets(%dma_start3A_59 : memref<128xi32, #tpu.memory_space<vmem>>) semaphore(%arg9 : memref<!tpu.dma_semaphore, #tpu.memory_space<semaphore_mem>>) {add = true}
    }
    %scan3A_45 = arith.constant 40 : i32
    %scan3A_46 = arith.constant 0 : i32
    %scan3A_47 = arith.constant 0 : i32
    %scan3A_48 = arith.constant 40 : i32
    %scan3A_49 = arith.addi %scan3A_47, %scan3A_48 : i32
    %scan3A_50 = arith.constant 1 : i32
    scf.for %scan3A_57 = %scan3A_47 to %scan3A_49 step %scan3A_50  : i32 {
      %dma_wait3A = arith.constant 0 : i32
      %dma_wait3A_58 = arith.constant 0 : i32
      %dma_wait3A_59 = tpu.memref_slice %arg6[%dma_wait3A, %dma_wait3A_58] : memref<40x128xi32, #tpu.memory_space<vmem>> -> memref<1x128xi32, #tpu.memory_space<vmem>>
      %dma_wait3A_60 = tpu.memref_squeeze %dma_wait3A_59 : memref<1x128xi32, #tpu.memory_space<vmem>> -> memref<128xi32, #tpu.memory_space<vmem>>
      %dma_wait3A_61 = arith.constant 0 : i32
      %dma_wait3A_62 = arith.constant 0 : i32
      %dma_wait3A_63 = tpu.memref_slice %arg8[%dma_wait3A_61, %dma_wait3A_62] : memref<10240x128xf32, #tpu.memory_space<vmem_shared>> -> memref<10240x128xf32, #tpu.memory_space<vmem_shared>>
      tpu.wait_indirect_dma semaphore(%arg9 : memref<!tpu.dma_semaphore, #tpu.memory_space<semaphore_mem>>) src(%arg7 : memref<128x128xf32, #tpu.memory_space<vmem>>) dst(%dma_wait3A_63 : memref<10240x128xf32, #tpu.memory_space<vmem_shared>>)
    }
    %scan3A_51 = arith.constant 40 : i32
    %barrier3A_52 = arith.constant 0 : index
    tpu.barrier barrier_id(%barrier3A_52)
    %mul3A_53 = arith.constant 640 : i32
    %mul3A_54 = arith.muli %arg1, %mul3A_53 : i32
    %mul3A_55 = arith.constant 640 : i32
    %mul3A_56 = arith.muli %arg1, %mul3A_55 : i32
    "tpu.region"() ({
      %run_scoped3A = tpu.sem_alloc : memref<!tpu.dma_semaphore, #tpu.memory_space<semaphore_mem>>
      %dma_start3A = arith.constant 0 : i32
      %dma_start3A_57 = tpu.memref_slice %arg5[%arg0, %mul3A_56, %dma_start3A] : memref<2x10240x128xf32, #tpu.memory_space<hbm>> -> memref<1x640x128xf32, #tpu.memory_space<hbm>>
      %dma_start3A_58 = tpu.memref_squeeze %dma_start3A_57 : memref<1x640x128xf32, #tpu.memory_space<hbm>> -> memref<640x128xf32, #tpu.memory_space<hbm>>
      %dma_start3A_59 = arith.constant 0 : i32
      %dma_start3A_60 = tpu.memref_slice %arg8[%mul3A_54, %dma_start3A_59] : memref<10240x128xf32, #tpu.memory_space<vmem_shared>> -> memref<640x128xf32, #tpu.memory_space<vmem_shared>>
      tpu.enqueue_dma source(%dma_start3A_60 : memref<640x128xf32, #tpu.memory_space<vmem_shared>>) target(%dma_start3A_58 : memref<640x128xf32, #tpu.memory_space<hbm>>) target_semaphore(%run_scoped3A : memref<!tpu.dma_semaphore, #tpu.memory_space<semaphore_mem>>)
      %dma_wait3A = arith.constant 0 : i32
      %dma_wait3A_61 = tpu.memref_slice %arg5[%arg0, %mul3A_56, %dma_wait3A] : memref<2x10240x128xf32, #tpu.memory_space<hbm>> -> memref<1x640x128xf32, #tpu.memory_space<hbm>>
      %dma_wait3A_62 = tpu.memref_squeeze %dma_wait3A_61 : memref<1x640x128xf32, #tpu.memory_space<hbm>> -> memref<640x128xf32, #tpu.memory_space<hbm>>
      %dma_wait3A_63 = arith.constant 0 : i32
      %dma_wait3A_64 = tpu.memref_slice %arg8[%mul3A_54, %dma_wait3A_63] : memref<10240x128xf32, #tpu.memory_space<vmem_shared>> -> memref<640x128xf32, #tpu.memory_space<vmem_shared>>
      tpu.wait_dma2 semaphore(%run_scoped3A : memref<!tpu.dma_semaphore, #tpu.memory_space<semaphore_mem>>) src(%dma_wait3A_64 : memref<640x128xf32, #tpu.memory_space<vmem_shared>>) dst(%dma_wait3A_62 : memref<640x128xf32, #tpu.memory_space<hbm>>)
      tpu.yield
    }) : () -> ()
    return
  }
}

#map = affine_map<(d0, d1) -> (0, 0)>
#map1 = affine_map<(d0, d1) -> (0, 0, 0)>
module attributes {stable_mosaic.version = 14 : i64} {
  func.func @_sc_agg(%arg0: i32, %arg1: i32, %arg2: memref<10240x128xf32, #tpu.memory_space<hbm>>, %arg3: memref<128x128xf32, #tpu.memory_space<hbm>>, %arg4: memref<2560x128xi32, #tpu.memory_space<hbm>>, %arg5: memref<2560x128xi32, #tpu.memory_space<hbm>>, %arg6: memref<2x10240x128xf32, #tpu.memory_space<hbm>>, %arg7: memref<40x128xi32, #tpu.memory_space<vmem>>, %arg8: memref<40x128xi32, #tpu.memory_space<vmem>>, %arg9: memref<2x128x128xf32, #tpu.memory_space<vmem>>, %arg10: memref<10240x128xf32, #tpu.memory_space<vmem_shared>>, %arg11: memref<!tpu.dma_semaphore, #tpu.memory_space<semaphore_mem>>, %arg12: memref<!tpu.dma_semaphore, #tpu.memory_space<semaphore_mem>>) attributes {dimension_semantics = [#tpu.dimension_semantics<core_parallel>, #tpu.dimension_semantics<subcore_parallel>], iteration_bounds = array<i64: 2, 16>, scalar_prefetch = 0 : i64, scratch_operands = 6 : i64, tpu.core_type = #tpu.core_type<sc_vector_subcore>, window_params = [{transform_indices = #map}, {transform_indices = #map}, {transform_indices = #map}, {transform_indices = #map}, {transform_indices = #map1}]} {
    %mul3A = arith.constant 2 : i32
    %mul3A_0 = arith.muli %arg1, %mul3A : i32
    %add3A = arith.addi %mul3A_0, %arg0 : i32
    %mul3A_1 = arith.constant 640 : i32
    %mul3A_2 = arith.muli %arg1, %mul3A_1 : i32
    %add3A_3 = arith.constant 0 : i32
    %add3A_4 = arith.addi %mul3A_2, %add3A_3 : i32
    "tpu.region"() ({
      %run_scoped3A = tpu.sem_alloc : memref<!tpu.dma_semaphore, #tpu.memory_space<semaphore_mem>>
      %dma_start3A_91 = arith.constant 0 : i32
      %dma_start3A_92 = tpu.memref_slice %arg10[%add3A_4, %dma_start3A_91] : memref<10240x128xf32, #tpu.memory_space<vmem_shared>> -> memref<128x128xf32, #tpu.memory_space<vmem_shared>>
      tpu.enqueue_dma source(%arg3 : memref<128x128xf32, #tpu.memory_space<hbm>>) target(%dma_start3A_92 : memref<128x128xf32, #tpu.memory_space<vmem_shared>>) target_semaphore(%run_scoped3A : memref<!tpu.dma_semaphore, #tpu.memory_space<semaphore_mem>>)
      %dma_wait3A_93 = arith.constant 0 : i32
      %dma_wait3A_94 = tpu.memref_slice %arg10[%add3A_4, %dma_wait3A_93] : memref<10240x128xf32, #tpu.memory_space<vmem_shared>> -> memref<128x128xf32, #tpu.memory_space<vmem_shared>>
      tpu.wait_dma2 semaphore(%run_scoped3A : memref<!tpu.dma_semaphore, #tpu.memory_space<semaphore_mem>>) src(%arg3 : memref<128x128xf32, #tpu.memory_space<hbm>>) dst(%dma_wait3A_94 : memref<128x128xf32, #tpu.memory_space<vmem_shared>>)
      tpu.yield
    }) : () -> ()
    %mul3A_5 = arith.constant 640 : i32
    %mul3A_6 = arith.muli %arg1, %mul3A_5 : i32
    %add3A_7 = arith.constant 128 : i32
    %add3A_8 = arith.addi %mul3A_6, %add3A_7 : i32
    "tpu.region"() ({
      %run_scoped3A = tpu.sem_alloc : memref<!tpu.dma_semaphore, #tpu.memory_space<semaphore_mem>>
      %dma_start3A_91 = arith.constant 0 : i32
      %dma_start3A_92 = tpu.memref_slice %arg10[%add3A_8, %dma_start3A_91] : memref<10240x128xf32, #tpu.memory_space<vmem_shared>> -> memref<128x128xf32, #tpu.memory_space<vmem_shared>>
      tpu.enqueue_dma source(%arg3 : memref<128x128xf32, #tpu.memory_space<hbm>>) target(%dma_start3A_92 : memref<128x128xf32, #tpu.memory_space<vmem_shared>>) target_semaphore(%run_scoped3A : memref<!tpu.dma_semaphore, #tpu.memory_space<semaphore_mem>>)
      %dma_wait3A_93 = arith.constant 0 : i32
      %dma_wait3A_94 = tpu.memref_slice %arg10[%add3A_8, %dma_wait3A_93] : memref<10240x128xf32, #tpu.memory_space<vmem_shared>> -> memref<128x128xf32, #tpu.memory_space<vmem_shared>>
      tpu.wait_dma2 semaphore(%run_scoped3A : memref<!tpu.dma_semaphore, #tpu.memory_space<semaphore_mem>>) src(%arg3 : memref<128x128xf32, #tpu.memory_space<hbm>>) dst(%dma_wait3A_94 : memref<128x128xf32, #tpu.memory_space<vmem_shared>>)
      tpu.yield
    }) : () -> ()
    %mul3A_9 = arith.constant 640 : i32
    %mul3A_10 = arith.muli %arg1, %mul3A_9 : i32
    %add3A_11 = arith.constant 256 : i32
    %add3A_12 = arith.addi %mul3A_10, %add3A_11 : i32
    "tpu.region"() ({
      %run_scoped3A = tpu.sem_alloc : memref<!tpu.dma_semaphore, #tpu.memory_space<semaphore_mem>>
      %dma_start3A_91 = arith.constant 0 : i32
      %dma_start3A_92 = tpu.memref_slice %arg10[%add3A_12, %dma_start3A_91] : memref<10240x128xf32, #tpu.memory_space<vmem_shared>> -> memref<128x128xf32, #tpu.memory_space<vmem_shared>>
      tpu.enqueue_dma source(%arg3 : memref<128x128xf32, #tpu.memory_space<hbm>>) target(%dma_start3A_92 : memref<128x128xf32, #tpu.memory_space<vmem_shared>>) target_semaphore(%run_scoped3A : memref<!tpu.dma_semaphore, #tpu.memory_space<semaphore_mem>>)
      %dma_wait3A_93 = arith.constant 0 : i32
      %dma_wait3A_94 = tpu.memref_slice %arg10[%add3A_12, %dma_wait3A_93] : memref<10240x128xf32, #tpu.memory_space<vmem_shared>> -> memref<128x128xf32, #tpu.memory_space<vmem_shared>>
      tpu.wait_dma2 semaphore(%run_scoped3A : memref<!tpu.dma_semaphore, #tpu.memory_space<semaphore_mem>>) src(%arg3 : memref<128x128xf32, #tpu.memory_space<hbm>>) dst(%dma_wait3A_94 : memref<128x128xf32, #tpu.memory_space<vmem_shared>>)
      tpu.yield
    }) : () -> ()
    %mul3A_13 = arith.constant 640 : i32
    %mul3A_14 = arith.muli %arg1, %mul3A_13 : i32
    %add3A_15 = arith.constant 384 : i32
    %add3A_16 = arith.addi %mul3A_14, %add3A_15 : i32
    "tpu.region"() ({
      %run_scoped3A = tpu.sem_alloc : memref<!tpu.dma_semaphore, #tpu.memory_space<semaphore_mem>>
      %dma_start3A_91 = arith.constant 0 : i32
      %dma_start3A_92 = tpu.memref_slice %arg10[%add3A_16, %dma_start3A_91] : memref<10240x128xf32, #tpu.memory_space<vmem_shared>> -> memref<128x128xf32, #tpu.memory_space<vmem_shared>>
      tpu.enqueue_dma source(%arg3 : memref<128x128xf32, #tpu.memory_space<hbm>>) target(%dma_start3A_92 : memref<128x128xf32, #tpu.memory_space<vmem_shared>>) target_semaphore(%run_scoped3A : memref<!tpu.dma_semaphore, #tpu.memory_space<semaphore_mem>>)
      %dma_wait3A_93 = arith.constant 0 : i32
      %dma_wait3A_94 = tpu.memref_slice %arg10[%add3A_16, %dma_wait3A_93] : memref<10240x128xf32, #tpu.memory_space<vmem_shared>> -> memref<128x128xf32, #tpu.memory_space<vmem_shared>>
      tpu.wait_dma2 semaphore(%run_scoped3A : memref<!tpu.dma_semaphore, #tpu.memory_space<semaphore_mem>>) src(%arg3 : memref<128x128xf32, #tpu.memory_space<hbm>>) dst(%dma_wait3A_94 : memref<128x128xf32, #tpu.memory_space<vmem_shared>>)
      tpu.yield
    }) : () -> ()
    %mul3A_17 = arith.constant 640 : i32
    %mul3A_18 = arith.muli %arg1, %mul3A_17 : i32
    %add3A_19 = arith.constant 512 : i32
    %add3A_20 = arith.addi %mul3A_18, %add3A_19 : i32
    "tpu.region"() ({
      %run_scoped3A = tpu.sem_alloc : memref<!tpu.dma_semaphore, #tpu.memory_space<semaphore_mem>>
      %dma_start3A_91 = arith.constant 0 : i32
      %dma_start3A_92 = tpu.memref_slice %arg10[%add3A_20, %dma_start3A_91] : memref<10240x128xf32, #tpu.memory_space<vmem_shared>> -> memref<128x128xf32, #tpu.memory_space<vmem_shared>>
      tpu.enqueue_dma source(%arg3 : memref<128x128xf32, #tpu.memory_space<hbm>>) target(%dma_start3A_92 : memref<128x128xf32, #tpu.memory_space<vmem_shared>>) target_semaphore(%run_scoped3A : memref<!tpu.dma_semaphore, #tpu.memory_space<semaphore_mem>>)
      %dma_wait3A_93 = arith.constant 0 : i32
      %dma_wait3A_94 = tpu.memref_slice %arg10[%add3A_20, %dma_wait3A_93] : memref<10240x128xf32, #tpu.memory_space<vmem_shared>> -> memref<128x128xf32, #tpu.memory_space<vmem_shared>>
      tpu.wait_dma2 semaphore(%run_scoped3A : memref<!tpu.dma_semaphore, #tpu.memory_space<semaphore_mem>>) src(%arg3 : memref<128x128xf32, #tpu.memory_space<hbm>>) dst(%dma_wait3A_94 : memref<128x128xf32, #tpu.memory_space<vmem_shared>>)
      tpu.yield
    }) : () -> ()
    %barrier3A = arith.constant 0 : index
    tpu.barrier barrier_id(%barrier3A)
    %mul3A_21 = arith.constant 80 : i32
    %mul3A_22 = arith.muli %add3A, %mul3A_21 : i32
    %add3A_23 = arith.constant 0 : i32
    %add3A_24 = arith.addi %mul3A_22, %add3A_23 : i32
    "tpu.region"() ({
      %run_scoped3A = tpu.sem_alloc : memref<!tpu.dma_semaphore, #tpu.memory_space<semaphore_mem>>
      %dma_start3A_91 = arith.constant 0 : i32
      %dma_start3A_92 = tpu.memref_slice %arg4[%add3A_24, %dma_start3A_91] : memref<2560x128xi32, #tpu.memory_space<hbm>> -> memref<40x128xi32, #tpu.memory_space<hbm>>
      %dma_start3A_93 = arith.constant 0 : i32
      %dma_start3A_94 = tpu.memref_slice %arg4[%add3A_24, %dma_start3A_93] : memref<2560x128xi32, #tpu.memory_space<hbm>> -> memref<40x128xi32, #tpu.memory_space<hbm>>
      tpu.enqueue_dma source(%dma_start3A_94 : memref<40x128xi32, #tpu.memory_space<hbm>>) target(%arg7 : memref<40x128xi32, #tpu.memory_space<vmem>>) target_semaphore(%run_scoped3A : memref<!tpu.dma_semaphore, #tpu.memory_space<semaphore_mem>>)
      %dma_wait3A_95 = arith.constant 0 : i32
      %dma_wait3A_96 = tpu.memref_slice %arg4[%add3A_24, %dma_wait3A_95] : memref<2560x128xi32, #tpu.memory_space<hbm>> -> memref<40x128xi32, #tpu.memory_space<hbm>>
      %dma_wait3A_97 = arith.constant 0 : i32
      %dma_wait3A_98 = tpu.memref_slice %arg4[%add3A_24, %dma_wait3A_97] : memref<2560x128xi32, #tpu.memory_space<hbm>> -> memref<40x128xi32, #tpu.memory_space<hbm>>
      tpu.wait_dma2 semaphore(%run_scoped3A : memref<!tpu.dma_semaphore, #tpu.memory_space<semaphore_mem>>) src(%dma_wait3A_98 : memref<40x128xi32, #tpu.memory_space<hbm>>) dst(%arg7 : memref<40x128xi32, #tpu.memory_space<vmem>>)
      tpu.yield
    }) : () -> ()
    "tpu.region"() ({
      %run_scoped3A = tpu.sem_alloc : memref<!tpu.dma_semaphore, #tpu.memory_space<semaphore_mem>>
      %dma_start3A_91 = arith.constant 0 : i32
      %dma_start3A_92 = tpu.memref_slice %arg5[%add3A_24, %dma_start3A_91] : memref<2560x128xi32, #tpu.memory_space<hbm>> -> memref<40x128xi32, #tpu.memory_space<hbm>>
      %dma_start3A_93 = arith.constant 0 : i32
      %dma_start3A_94 = tpu.memref_slice %arg5[%add3A_24, %dma_start3A_93] : memref<2560x128xi32, #tpu.memory_space<hbm>> -> memref<40x128xi32, #tpu.memory_space<hbm>>
      tpu.enqueue_dma source(%dma_start3A_94 : memref<40x128xi32, #tpu.memory_space<hbm>>) target(%arg8 : memref<40x128xi32, #tpu.memory_space<vmem>>) target_semaphore(%run_scoped3A : memref<!tpu.dma_semaphore, #tpu.memory_space<semaphore_mem>>)
      %dma_wait3A_95 = arith.constant 0 : i32
      %dma_wait3A_96 = tpu.memref_slice %arg5[%add3A_24, %dma_wait3A_95] : memref<2560x128xi32, #tpu.memory_space<hbm>> -> memref<40x128xi32, #tpu.memory_space<hbm>>
      %dma_wait3A_97 = arith.constant 0 : i32
      %dma_wait3A_98 = tpu.memref_slice %arg5[%add3A_24, %dma_wait3A_97] : memref<2560x128xi32, #tpu.memory_space<hbm>> -> memref<40x128xi32, #tpu.memory_space<hbm>>
      tpu.wait_dma2 semaphore(%run_scoped3A : memref<!tpu.dma_semaphore, #tpu.memory_space<semaphore_mem>>) src(%dma_wait3A_98 : memref<40x128xi32, #tpu.memory_space<hbm>>) dst(%arg8 : memref<40x128xi32, #tpu.memory_space<vmem>>)
      tpu.yield
    }) : () -> ()
    %dma_start3A = arith.constant 0 : i32
    %dma_start3A_25 = arith.constant 0 : i32
    %dma_start3A_26 = arith.constant 0 : i32
    %dma_start3A_27 = arith.constant 0 : i32
    %dma_start3A_28 = tpu.memref_slice %arg9[%dma_start3A_25, %dma_start3A_26, %dma_start3A_27] : memref<2x128x128xf32, #tpu.memory_space<vmem>> -> memref<1x128x128xf32, #tpu.memory_space<vmem>>
    %dma_start3A_29 = tpu.memref_squeeze %dma_start3A_28 : memref<1x128x128xf32, #tpu.memory_space<vmem>> -> memref<128x128xf32, #tpu.memory_space<vmem>>
    %dma_start3A_30 = arith.constant 0 : i32
    %dma_start3A_31 = tpu.memref_slice %arg7[%dma_start3A, %dma_start3A_30] : memref<40x128xi32, #tpu.memory_space<vmem>> -> memref<1x128xi32, #tpu.memory_space<vmem>>
    %dma_start3A_32 = tpu.memref_squeeze %dma_start3A_31 : memref<1x128xi32, #tpu.memory_space<vmem>> -> memref<128xi32, #tpu.memory_space<vmem>>
    %dma_start3A_33 = arith.constant 0 : i32
    %dma_start3A_34 = arith.constant 0 : i32
    %dma_start3A_35 = tpu.memref_slice %arg2[%dma_start3A_33, %dma_start3A_34] : memref<10240x128xf32, #tpu.memory_space<hbm>> -> memref<10240x128xf32, #tpu.memory_space<hbm>>
    tpu.enqueue_indirect_dma source(%dma_start3A_35 : memref<10240x128xf32, #tpu.memory_space<hbm>>) target(%dma_start3A_29 : memref<128x128xf32, #tpu.memory_space<vmem>>) offsets(%dma_start3A_32 : memref<128xi32, #tpu.memory_space<vmem>>) semaphore(%arg11 : memref<!tpu.dma_semaphore, #tpu.memory_space<semaphore_mem>>)
    %scan3A = arith.constant 0 : i32
    %scan3A_36 = arith.constant 0 : i32
    %scan3A_37 = arith.constant 40 : i32
    %scan3A_38 = arith.addi %scan3A_36, %scan3A_37 : i32
    %scan3A_39 = arith.constant 1 : i32
    scf.for %scan3A_91 = %scan3A_36 to %scan3A_38 step %scan3A_39  : i32 {
      %rem3A = arith.constant 2 : i32
      %rem3A_92 = arith.remsi %scan3A_91, %rem3A : i32
      %add3A_93 = arith.constant 1 : i32
      %add3A_94 = arith.addi %scan3A_91, %add3A_93 : i32
      %rem3A_95 = arith.constant 2 : i32
      %rem3A_96 = arith.remsi %add3A_94, %rem3A_95 : i32
      %dma_wait3A_97 = arith.constant 0 : i32
      %dma_wait3A_98 = arith.constant 0 : i32
      %dma_wait3A_99 = tpu.memref_slice %arg9[%rem3A_92, %dma_wait3A_97, %dma_wait3A_98] : memref<2x128x128xf32, #tpu.memory_space<vmem>> -> memref<1x128x128xf32, #tpu.memory_space<vmem>>
      %dma_wait3A_100 = tpu.memref_squeeze %dma_wait3A_99 : memref<1x128x128xf32, #tpu.memory_space<vmem>> -> memref<128x128xf32, #tpu.memory_space<vmem>>
      %dma_wait3A_101 = arith.constant 0 : i32
      %dma_wait3A_102 = tpu.memref_slice %arg7[%scan3A_91, %dma_wait3A_101] : memref<40x128xi32, #tpu.memory_space<vmem>> -> memref<1x128xi32, #tpu.memory_space<vmem>>
      %dma_wait3A_103 = tpu.memref_squeeze %dma_wait3A_102 : memref<1x128xi32, #tpu.memory_space<vmem>> -> memref<128xi32, #tpu.memory_space<vmem>>
      %dma_wait3A_104 = arith.constant 0 : i32
      %dma_wait3A_105 = arith.constant 0 : i32
      %dma_wait3A_106 = tpu.memref_slice %arg2[%dma_wait3A_104, %dma_wait3A_105] : memref<10240x128xf32, #tpu.memory_space<hbm>> -> memref<10240x128xf32, #tpu.memory_space<hbm>>
      tpu.wait_indirect_dma semaphore(%arg11 : memref<!tpu.dma_semaphore, #tpu.memory_space<semaphore_mem>>) src(%dma_wait3A_106 : memref<10240x128xf32, #tpu.memory_space<hbm>>) dst(%dma_wait3A_100 : memref<128x128xf32, #tpu.memory_space<vmem>>)
      %ge3A = arith.constant 1 : i32
      %ge3A_107 = arith.cmpi sge, %scan3A_91, %ge3A : i32
      %convert_element_type3A = arith.extui %ge3A_107 : i1 to i32
      %cond3A = arith.constant 0 : i32
      %cond3A_108 = arith.cmpi ne, %convert_element_type3A, %cond3A : i32
      scf.if %cond3A_108 {
        %sub3A = arith.constant 1 : i32
        %sub3A_123 = arith.subi %scan3A_91, %sub3A : i32
        %dma_wait3A_124 = arith.constant 0 : i32
        %dma_wait3A_125 = arith.constant 0 : i32
        %dma_wait3A_126 = tpu.memref_slice %arg9[%rem3A_96, %dma_wait3A_124, %dma_wait3A_125] : memref<2x128x128xf32, #tpu.memory_space<vmem>> -> memref<1x128x128xf32, #tpu.memory_space<vmem>>
        %dma_wait3A_127 = tpu.memref_squeeze %dma_wait3A_126 : memref<1x128x128xf32, #tpu.memory_space<vmem>> -> memref<128x128xf32, #tpu.memory_space<vmem>>
        %dma_wait3A_128 = arith.constant 0 : i32
        %dma_wait3A_129 = tpu.memref_slice %arg8[%sub3A_123, %dma_wait3A_128] : memref<40x128xi32, #tpu.memory_space<vmem>> -> memref<1x128xi32, #tpu.memory_space<vmem>>
        %dma_wait3A_130 = tpu.memref_squeeze %dma_wait3A_129 : memref<1x128xi32, #tpu.memory_space<vmem>> -> memref<128xi32, #tpu.memory_space<vmem>>
        %dma_wait3A_131 = arith.constant 0 : i32
        %dma_wait3A_132 = arith.constant 0 : i32
        %dma_wait3A_133 = tpu.memref_slice %arg10[%dma_wait3A_131, %dma_wait3A_132] : memref<10240x128xf32, #tpu.memory_space<vmem_shared>> -> memref<10240x128xf32, #tpu.memory_space<vmem_shared>>
        tpu.wait_indirect_dma semaphore(%arg12 : memref<!tpu.dma_semaphore, #tpu.memory_space<semaphore_mem>>) src(%dma_wait3A_127 : memref<128x128xf32, #tpu.memory_space<vmem>>) dst(%dma_wait3A_133 : memref<10240x128xf32, #tpu.memory_space<vmem_shared>>)
      } else {
      }
      %lt3A = arith.constant 39 : i32
      %lt3A_109 = arith.cmpi slt, %scan3A_91, %lt3A : i32
      %convert_element_type3A_110 = arith.extui %lt3A_109 : i1 to i32
      %cond3A_111 = arith.constant 0 : i32
      %cond3A_112 = arith.cmpi ne, %convert_element_type3A_110, %cond3A_111 : i32
      scf.if %cond3A_112 {
        %add3A_123 = arith.constant 1 : i32
        %add3A_124 = arith.addi %scan3A_91, %add3A_123 : i32
        %dma_start3A_125 = arith.constant 0 : i32
        %dma_start3A_126 = arith.constant 0 : i32
        %dma_start3A_127 = tpu.memref_slice %arg9[%rem3A_96, %dma_start3A_125, %dma_start3A_126] : memref<2x128x128xf32, #tpu.memory_space<vmem>> -> memref<1x128x128xf32, #tpu.memory_space<vmem>>
        %dma_start3A_128 = tpu.memref_squeeze %dma_start3A_127 : memref<1x128x128xf32, #tpu.memory_space<vmem>> -> memref<128x128xf32, #tpu.memory_space<vmem>>
        %dma_start3A_129 = arith.constant 0 : i32
        %dma_start3A_130 = tpu.memref_slice %arg7[%add3A_124, %dma_start3A_129] : memref<40x128xi32, #tpu.memory_space<vmem>> -> memref<1x128xi32, #tpu.memory_space<vmem>>
        %dma_start3A_131 = tpu.memref_squeeze %dma_start3A_130 : memref<1x128xi32, #tpu.memory_space<vmem>> -> memref<128xi32, #tpu.memory_space<vmem>>
        %dma_start3A_132 = arith.constant 0 : i32
        %dma_start3A_133 = arith.constant 0 : i32
        %dma_start3A_134 = tpu.memref_slice %arg2[%dma_start3A_132, %dma_start3A_133] : memref<10240x128xf32, #tpu.memory_space<hbm>> -> memref<10240x128xf32, #tpu.memory_space<hbm>>
        tpu.enqueue_indirect_dma source(%dma_start3A_134 : memref<10240x128xf32, #tpu.memory_space<hbm>>) target(%dma_start3A_128 : memref<128x128xf32, #tpu.memory_space<vmem>>) offsets(%dma_start3A_131 : memref<128xi32, #tpu.memory_space<vmem>>) semaphore(%arg11 : memref<!tpu.dma_semaphore, #tpu.memory_space<semaphore_mem>>)
      } else {
      }
      %dma_start3A_113 = arith.constant 0 : i32
      %dma_start3A_114 = arith.constant 0 : i32
      %dma_start3A_115 = tpu.memref_slice %arg9[%rem3A_92, %dma_start3A_113, %dma_start3A_114] : memref<2x128x128xf32, #tpu.memory_space<vmem>> -> memref<1x128x128xf32, #tpu.memory_space<vmem>>
      %dma_start3A_116 = tpu.memref_squeeze %dma_start3A_115 : memref<1x128x128xf32, #tpu.memory_space<vmem>> -> memref<128x128xf32, #tpu.memory_space<vmem>>
      %dma_start3A_117 = arith.constant 0 : i32
      %dma_start3A_118 = tpu.memref_slice %arg8[%scan3A_91, %dma_start3A_117] : memref<40x128xi32, #tpu.memory_space<vmem>> -> memref<1x128xi32, #tpu.memory_space<vmem>>
      %dma_start3A_119 = tpu.memref_squeeze %dma_start3A_118 : memref<1x128xi32, #tpu.memory_space<vmem>> -> memref<128xi32, #tpu.memory_space<vmem>>
      %dma_start3A_120 = arith.constant 0 : i32
      %dma_start3A_121 = arith.constant 0 : i32
      %dma_start3A_122 = tpu.memref_slice %arg10[%dma_start3A_120, %dma_start3A_121] : memref<10240x128xf32, #tpu.memory_space<vmem_shared>> -> memref<10240x128xf32, #tpu.memory_space<vmem_shared>>
      tpu.enqueue_indirect_dma source(%dma_start3A_116 : memref<128x128xf32, #tpu.memory_space<vmem>>) target(%dma_start3A_122 : memref<10240x128xf32, #tpu.memory_space<vmem_shared>>) offsets(%dma_start3A_119 : memref<128xi32, #tpu.memory_space<vmem>>) semaphore(%arg12 : memref<!tpu.dma_semaphore, #tpu.memory_space<semaphore_mem>>) {add = true}
    }
    %scan3A_40 = arith.constant 40 : i32
    %dma_wait3A = arith.constant 1 : i32
    %dma_wait3A_41 = arith.constant 39 : i32
    %dma_wait3A_42 = arith.constant 0 : i32
    %dma_wait3A_43 = arith.constant 0 : i32
    %dma_wait3A_44 = tpu.memref_slice %arg9[%dma_wait3A, %dma_wait3A_42, %dma_wait3A_43] : memref<2x128x128xf32, #tpu.memory_space<vmem>> -> memref<1x128x128xf32, #tpu.memory_space<vmem>>
    %dma_wait3A_45 = tpu.memref_squeeze %dma_wait3A_44 : memref<1x128x128xf32, #tpu.memory_space<vmem>> -> memref<128x128xf32, #tpu.memory_space<vmem>>
    %dma_wait3A_46 = arith.constant 0 : i32
    %dma_wait3A_47 = tpu.memref_slice %arg8[%dma_wait3A_41, %dma_wait3A_46] : memref<40x128xi32, #tpu.memory_space<vmem>> -> memref<1x128xi32, #tpu.memory_space<vmem>>
    %dma_wait3A_48 = tpu.memref_squeeze %dma_wait3A_47 : memref<1x128xi32, #tpu.memory_space<vmem>> -> memref<128xi32, #tpu.memory_space<vmem>>
    %dma_wait3A_49 = arith.constant 0 : i32
    %dma_wait3A_50 = arith.constant 0 : i32
    %dma_wait3A_51 = tpu.memref_slice %arg10[%dma_wait3A_49, %dma_wait3A_50] : memref<10240x128xf32, #tpu.memory_space<vmem_shared>> -> memref<10240x128xf32, #tpu.memory_space<vmem_shared>>
    tpu.wait_indirect_dma semaphore(%arg12 : memref<!tpu.dma_semaphore, #tpu.memory_space<semaphore_mem>>) src(%dma_wait3A_45 : memref<128x128xf32, #tpu.memory_space<vmem>>) dst(%dma_wait3A_51 : memref<10240x128xf32, #tpu.memory_space<vmem_shared>>)
    %mul3A_52 = arith.constant 80 : i32
    %mul3A_53 = arith.muli %add3A, %mul3A_52 : i32
    %add3A_54 = arith.constant 40 : i32
    %add3A_55 = arith.addi %mul3A_53, %add3A_54 : i32
    "tpu.region"() ({
      %run_scoped3A = tpu.sem_alloc : memref<!tpu.dma_semaphore, #tpu.memory_space<semaphore_mem>>
      %dma_start3A_91 = arith.constant 0 : i32
      %dma_start3A_92 = tpu.memref_slice %arg4[%add3A_55, %dma_start3A_91] : memref<2560x128xi32, #tpu.memory_space<hbm>> -> memref<40x128xi32, #tpu.memory_space<hbm>>
      %dma_start3A_93 = arith.constant 0 : i32
      %dma_start3A_94 = tpu.memref_slice %arg4[%add3A_55, %dma_start3A_93] : memref<2560x128xi32, #tpu.memory_space<hbm>> -> memref<40x128xi32, #tpu.memory_space<hbm>>
      tpu.enqueue_dma source(%dma_start3A_94 : memref<40x128xi32, #tpu.memory_space<hbm>>) target(%arg7 : memref<40x128xi32, #tpu.memory_space<vmem>>) target_semaphore(%run_scoped3A : memref<!tpu.dma_semaphore, #tpu.memory_space<semaphore_mem>>)
      %dma_wait3A_95 = arith.constant 0 : i32
      %dma_wait3A_96 = tpu.memref_slice %arg4[%add3A_55, %dma_wait3A_95] : memref<2560x128xi32, #tpu.memory_space<hbm>> -> memref<40x128xi32, #tpu.memory_space<hbm>>
      %dma_wait3A_97 = arith.constant 0 : i32
      %dma_wait3A_98 = tpu.memref_slice %arg4[%add3A_55, %dma_wait3A_97] : memref<2560x128xi32, #tpu.memory_space<hbm>> -> memref<40x128xi32, #tpu.memory_space<hbm>>
      tpu.wait_dma2 semaphore(%run_scoped3A : memref<!tpu.dma_semaphore, #tpu.memory_space<semaphore_mem>>) src(%dma_wait3A_98 : memref<40x128xi32, #tpu.memory_space<hbm>>) dst(%arg7 : memref<40x128xi32, #tpu.memory_space<vmem>>)
      tpu.yield
    }) : () -> ()
    "tpu.region"() ({
      %run_scoped3A = tpu.sem_alloc : memref<!tpu.dma_semaphore, #tpu.memory_space<semaphore_mem>>
      %dma_start3A_91 = arith.constant 0 : i32
      %dma_start3A_92 = tpu.memref_slice %arg5[%add3A_55, %dma_start3A_91] : memref<2560x128xi32, #tpu.memory_space<hbm>> -> memref<40x128xi32, #tpu.memory_space<hbm>>
      %dma_start3A_93 = arith.constant 0 : i32
      %dma_start3A_94 = tpu.memref_slice %arg5[%add3A_55, %dma_start3A_93] : memref<2560x128xi32, #tpu.memory_space<hbm>> -> memref<40x128xi32, #tpu.memory_space<hbm>>
      tpu.enqueue_dma source(%dma_start3A_94 : memref<40x128xi32, #tpu.memory_space<hbm>>) target(%arg8 : memref<40x128xi32, #tpu.memory_space<vmem>>) target_semaphore(%run_scoped3A : memref<!tpu.dma_semaphore, #tpu.memory_space<semaphore_mem>>)
      %dma_wait3A_95 = arith.constant 0 : i32
      %dma_wait3A_96 = tpu.memref_slice %arg5[%add3A_55, %dma_wait3A_95] : memref<2560x128xi32, #tpu.memory_space<hbm>> -> memref<40x128xi32, #tpu.memory_space<hbm>>
      %dma_wait3A_97 = arith.constant 0 : i32
      %dma_wait3A_98 = tpu.memref_slice %arg5[%add3A_55, %dma_wait3A_97] : memref<2560x128xi32, #tpu.memory_space<hbm>> -> memref<40x128xi32, #tpu.memory_space<hbm>>
      tpu.wait_dma2 semaphore(%run_scoped3A : memref<!tpu.dma_semaphore, #tpu.memory_space<semaphore_mem>>) src(%dma_wait3A_98 : memref<40x128xi32, #tpu.memory_space<hbm>>) dst(%arg8 : memref<40x128xi32, #tpu.memory_space<vmem>>)
      tpu.yield
    }) : () -> ()
    %dma_start3A_56 = arith.constant 0 : i32
    %dma_start3A_57 = arith.constant 0 : i32
    %dma_start3A_58 = arith.constant 0 : i32
    %dma_start3A_59 = arith.constant 0 : i32
    %dma_start3A_60 = tpu.memref_slice %arg9[%dma_start3A_57, %dma_start3A_58, %dma_start3A_59] : memref<2x128x128xf32, #tpu.memory_space<vmem>> -> memref<1x128x128xf32, #tpu.memory_space<vmem>>
    %dma_start3A_61 = tpu.memref_squeeze %dma_start3A_60 : memref<1x128x128xf32, #tpu.memory_space<vmem>> -> memref<128x128xf32, #tpu.memory_space<vmem>>
    %dma_start3A_62 = arith.constant 0 : i32
    %dma_start3A_63 = tpu.memref_slice %arg7[%dma_start3A_56, %dma_start3A_62] : memref<40x128xi32, #tpu.memory_space<vmem>> -> memref<1x128xi32, #tpu.memory_space<vmem>>
    %dma_start3A_64 = tpu.memref_squeeze %dma_start3A_63 : memref<1x128xi32, #tpu.memory_space<vmem>> -> memref<128xi32, #tpu.memory_space<vmem>>
    %dma_start3A_65 = arith.constant 0 : i32
    %dma_start3A_66 = arith.constant 0 : i32
    %dma_start3A_67 = tpu.memref_slice %arg2[%dma_start3A_65, %dma_start3A_66] : memref<10240x128xf32, #tpu.memory_space<hbm>> -> memref<10240x128xf32, #tpu.memory_space<hbm>>
    tpu.enqueue_indirect_dma source(%dma_start3A_67 : memref<10240x128xf32, #tpu.memory_space<hbm>>) target(%dma_start3A_61 : memref<128x128xf32, #tpu.memory_space<vmem>>) offsets(%dma_start3A_64 : memref<128xi32, #tpu.memory_space<vmem>>) semaphore(%arg11 : memref<!tpu.dma_semaphore, #tpu.memory_space<semaphore_mem>>)
    %scan3A_68 = arith.constant 0 : i32
    %scan3A_69 = arith.constant 0 : i32
    %scan3A_70 = arith.constant 40 : i32
    %scan3A_71 = arith.addi %scan3A_69, %scan3A_70 : i32
    %scan3A_72 = arith.constant 1 : i32
    scf.for %scan3A_91 = %scan3A_69 to %scan3A_71 step %scan3A_72  : i32 {
      %rem3A = arith.constant 2 : i32
      %rem3A_92 = arith.remsi %scan3A_91, %rem3A : i32
      %add3A_93 = arith.constant 1 : i32
      %add3A_94 = arith.addi %scan3A_91, %add3A_93 : i32
      %rem3A_95 = arith.constant 2 : i32
      %rem3A_96 = arith.remsi %add3A_94, %rem3A_95 : i32
      %dma_wait3A_97 = arith.constant 0 : i32
      %dma_wait3A_98 = arith.constant 0 : i32
      %dma_wait3A_99 = tpu.memref_slice %arg9[%rem3A_92, %dma_wait3A_97, %dma_wait3A_98] : memref<2x128x128xf32, #tpu.memory_space<vmem>> -> memref<1x128x128xf32, #tpu.memory_space<vmem>>
      %dma_wait3A_100 = tpu.memref_squeeze %dma_wait3A_99 : memref<1x128x128xf32, #tpu.memory_space<vmem>> -> memref<128x128xf32, #tpu.memory_space<vmem>>
      %dma_wait3A_101 = arith.constant 0 : i32
      %dma_wait3A_102 = tpu.memref_slice %arg7[%scan3A_91, %dma_wait3A_101] : memref<40x128xi32, #tpu.memory_space<vmem>> -> memref<1x128xi32, #tpu.memory_space<vmem>>
      %dma_wait3A_103 = tpu.memref_squeeze %dma_wait3A_102 : memref<1x128xi32, #tpu.memory_space<vmem>> -> memref<128xi32, #tpu.memory_space<vmem>>
      %dma_wait3A_104 = arith.constant 0 : i32
      %dma_wait3A_105 = arith.constant 0 : i32
      %dma_wait3A_106 = tpu.memref_slice %arg2[%dma_wait3A_104, %dma_wait3A_105] : memref<10240x128xf32, #tpu.memory_space<hbm>> -> memref<10240x128xf32, #tpu.memory_space<hbm>>
      tpu.wait_indirect_dma semaphore(%arg11 : memref<!tpu.dma_semaphore, #tpu.memory_space<semaphore_mem>>) src(%dma_wait3A_106 : memref<10240x128xf32, #tpu.memory_space<hbm>>) dst(%dma_wait3A_100 : memref<128x128xf32, #tpu.memory_space<vmem>>)
      %ge3A = arith.constant 1 : i32
      %ge3A_107 = arith.cmpi sge, %scan3A_91, %ge3A : i32
      %convert_element_type3A = arith.extui %ge3A_107 : i1 to i32
      %cond3A = arith.constant 0 : i32
      %cond3A_108 = arith.cmpi ne, %convert_element_type3A, %cond3A : i32
      scf.if %cond3A_108 {
        %sub3A = arith.constant 1 : i32
        %sub3A_123 = arith.subi %scan3A_91, %sub3A : i32
        %dma_wait3A_124 = arith.constant 0 : i32
        %dma_wait3A_125 = arith.constant 0 : i32
        %dma_wait3A_126 = tpu.memref_slice %arg9[%rem3A_96, %dma_wait3A_124, %dma_wait3A_125] : memref<2x128x128xf32, #tpu.memory_space<vmem>> -> memref<1x128x128xf32, #tpu.memory_space<vmem>>
        %dma_wait3A_127 = tpu.memref_squeeze %dma_wait3A_126 : memref<1x128x128xf32, #tpu.memory_space<vmem>> -> memref<128x128xf32, #tpu.memory_space<vmem>>
        %dma_wait3A_128 = arith.constant 0 : i32
        %dma_wait3A_129 = tpu.memref_slice %arg8[%sub3A_123, %dma_wait3A_128] : memref<40x128xi32, #tpu.memory_space<vmem>> -> memref<1x128xi32, #tpu.memory_space<vmem>>
        %dma_wait3A_130 = tpu.memref_squeeze %dma_wait3A_129 : memref<1x128xi32, #tpu.memory_space<vmem>> -> memref<128xi32, #tpu.memory_space<vmem>>
        %dma_wait3A_131 = arith.constant 0 : i32
        %dma_wait3A_132 = arith.constant 0 : i32
        %dma_wait3A_133 = tpu.memref_slice %arg10[%dma_wait3A_131, %dma_wait3A_132] : memref<10240x128xf32, #tpu.memory_space<vmem_shared>> -> memref<10240x128xf32, #tpu.memory_space<vmem_shared>>
        tpu.wait_indirect_dma semaphore(%arg12 : memref<!tpu.dma_semaphore, #tpu.memory_space<semaphore_mem>>) src(%dma_wait3A_127 : memref<128x128xf32, #tpu.memory_space<vmem>>) dst(%dma_wait3A_133 : memref<10240x128xf32, #tpu.memory_space<vmem_shared>>)
      } else {
      }
      %lt3A = arith.constant 39 : i32
      %lt3A_109 = arith.cmpi slt, %scan3A_91, %lt3A : i32
      %convert_element_type3A_110 = arith.extui %lt3A_109 : i1 to i32
      %cond3A_111 = arith.constant 0 : i32
      %cond3A_112 = arith.cmpi ne, %convert_element_type3A_110, %cond3A_111 : i32
      scf.if %cond3A_112 {
        %add3A_123 = arith.constant 1 : i32
        %add3A_124 = arith.addi %scan3A_91, %add3A_123 : i32
        %dma_start3A_125 = arith.constant 0 : i32
        %dma_start3A_126 = arith.constant 0 : i32
        %dma_start3A_127 = tpu.memref_slice %arg9[%rem3A_96, %dma_start3A_125, %dma_start3A_126] : memref<2x128x128xf32, #tpu.memory_space<vmem>> -> memref<1x128x128xf32, #tpu.memory_space<vmem>>
        %dma_start3A_128 = tpu.memref_squeeze %dma_start3A_127 : memref<1x128x128xf32, #tpu.memory_space<vmem>> -> memref<128x128xf32, #tpu.memory_space<vmem>>
        %dma_start3A_129 = arith.constant 0 : i32
        %dma_start3A_130 = tpu.memref_slice %arg7[%add3A_124, %dma_start3A_129] : memref<40x128xi32, #tpu.memory_space<vmem>> -> memref<1x128xi32, #tpu.memory_space<vmem>>
        %dma_start3A_131 = tpu.memref_squeeze %dma_start3A_130 : memref<1x128xi32, #tpu.memory_space<vmem>> -> memref<128xi32, #tpu.memory_space<vmem>>
        %dma_start3A_132 = arith.constant 0 : i32
        %dma_start3A_133 = arith.constant 0 : i32
        %dma_start3A_134 = tpu.memref_slice %arg2[%dma_start3A_132, %dma_start3A_133] : memref<10240x128xf32, #tpu.memory_space<hbm>> -> memref<10240x128xf32, #tpu.memory_space<hbm>>
        tpu.enqueue_indirect_dma source(%dma_start3A_134 : memref<10240x128xf32, #tpu.memory_space<hbm>>) target(%dma_start3A_128 : memref<128x128xf32, #tpu.memory_space<vmem>>) offsets(%dma_start3A_131 : memref<128xi32, #tpu.memory_space<vmem>>) semaphore(%arg11 : memref<!tpu.dma_semaphore, #tpu.memory_space<semaphore_mem>>)
      } else {
      }
      %dma_start3A_113 = arith.constant 0 : i32
      %dma_start3A_114 = arith.constant 0 : i32
      %dma_start3A_115 = tpu.memref_slice %arg9[%rem3A_92, %dma_start3A_113, %dma_start3A_114] : memref<2x128x128xf32, #tpu.memory_space<vmem>> -> memref<1x128x128xf32, #tpu.memory_space<vmem>>
      %dma_start3A_116 = tpu.memref_squeeze %dma_start3A_115 : memref<1x128x128xf32, #tpu.memory_space<vmem>> -> memref<128x128xf32, #tpu.memory_space<vmem>>
      %dma_start3A_117 = arith.constant 0 : i32
      %dma_start3A_118 = tpu.memref_slice %arg8[%scan3A_91, %dma_start3A_117] : memref<40x128xi32, #tpu.memory_space<vmem>> -> memref<1x128xi32, #tpu.memory_space<vmem>>
      %dma_start3A_119 = tpu.memref_squeeze %dma_start3A_118 : memref<1x128xi32, #tpu.memory_space<vmem>> -> memref<128xi32, #tpu.memory_space<vmem>>
      %dma_start3A_120 = arith.constant 0 : i32
      %dma_start3A_121 = arith.constant 0 : i32
      %dma_start3A_122 = tpu.memref_slice %arg10[%dma_start3A_120, %dma_start3A_121] : memref<10240x128xf32, #tpu.memory_space<vmem_shared>> -> memref<10240x128xf32, #tpu.memory_space<vmem_shared>>
      tpu.enqueue_indirect_dma source(%dma_start3A_116 : memref<128x128xf32, #tpu.memory_space<vmem>>) target(%dma_start3A_122 : memref<10240x128xf32, #tpu.memory_space<vmem_shared>>) offsets(%dma_start3A_119 : memref<128xi32, #tpu.memory_space<vmem>>) semaphore(%arg12 : memref<!tpu.dma_semaphore, #tpu.memory_space<semaphore_mem>>) {add = true}
    }
    %scan3A_73 = arith.constant 40 : i32
    %dma_wait3A_74 = arith.constant 1 : i32
    %dma_wait3A_75 = arith.constant 39 : i32
    %dma_wait3A_76 = arith.constant 0 : i32
    %dma_wait3A_77 = arith.constant 0 : i32
    %dma_wait3A_78 = tpu.memref_slice %arg9[%dma_wait3A_74, %dma_wait3A_76, %dma_wait3A_77] : memref<2x128x128xf32, #tpu.memory_space<vmem>> -> memref<1x128x128xf32, #tpu.memory_space<vmem>>
    %dma_wait3A_79 = tpu.memref_squeeze %dma_wait3A_78 : memref<1x128x128xf32, #tpu.memory_space<vmem>> -> memref<128x128xf32, #tpu.memory_space<vmem>>
    %dma_wait3A_80 = arith.constant 0 : i32
    %dma_wait3A_81 = tpu.memref_slice %arg8[%dma_wait3A_75, %dma_wait3A_80] : memref<40x128xi32, #tpu.memory_space<vmem>> -> memref<1x128xi32, #tpu.memory_space<vmem>>
    %dma_wait3A_82 = tpu.memref_squeeze %dma_wait3A_81 : memref<1x128xi32, #tpu.memory_space<vmem>> -> memref<128xi32, #tpu.memory_space<vmem>>
    %dma_wait3A_83 = arith.constant 0 : i32
    %dma_wait3A_84 = arith.constant 0 : i32
    %dma_wait3A_85 = tpu.memref_slice %arg10[%dma_wait3A_83, %dma_wait3A_84] : memref<10240x128xf32, #tpu.memory_space<vmem_shared>> -> memref<10240x128xf32, #tpu.memory_space<vmem_shared>>
    tpu.wait_indirect_dma semaphore(%arg12 : memref<!tpu.dma_semaphore, #tpu.memory_space<semaphore_mem>>) src(%dma_wait3A_79 : memref<128x128xf32, #tpu.memory_space<vmem>>) dst(%dma_wait3A_85 : memref<10240x128xf32, #tpu.memory_space<vmem_shared>>)
    %barrier3A_86 = arith.constant 0 : index
    tpu.barrier barrier_id(%barrier3A_86)
    %mul3A_87 = arith.constant 640 : i32
    %mul3A_88 = arith.muli %arg1, %mul3A_87 : i32
    %mul3A_89 = arith.constant 640 : i32
    %mul3A_90 = arith.muli %arg1, %mul3A_89 : i32
    "tpu.region"() ({
      %run_scoped3A = tpu.sem_alloc : memref<!tpu.dma_semaphore, #tpu.memory_space<semaphore_mem>>
      %dma_start3A_91 = arith.constant 0 : i32
      %dma_start3A_92 = tpu.memref_slice %arg6[%arg0, %mul3A_90, %dma_start3A_91] : memref<2x10240x128xf32, #tpu.memory_space<hbm>> -> memref<1x640x128xf32, #tpu.memory_space<hbm>>
      %dma_start3A_93 = tpu.memref_squeeze %dma_start3A_92 : memref<1x640x128xf32, #tpu.memory_space<hbm>> -> memref<640x128xf32, #tpu.memory_space<hbm>>
      %dma_start3A_94 = arith.constant 0 : i32
      %dma_start3A_95 = tpu.memref_slice %arg10[%mul3A_88, %dma_start3A_94] : memref<10240x128xf32, #tpu.memory_space<vmem_shared>> -> memref<640x128xf32, #tpu.memory_space<vmem_shared>>
      tpu.enqueue_dma source(%dma_start3A_95 : memref<640x128xf32, #tpu.memory_space<vmem_shared>>) target(%dma_start3A_93 : memref<640x128xf32, #tpu.memory_space<hbm>>) target_semaphore(%run_scoped3A : memref<!tpu.dma_semaphore, #tpu.memory_space<semaphore_mem>>)
      %dma_wait3A_96 = arith.constant 0 : i32
      %dma_wait3A_97 = tpu.memref_slice %arg6[%arg0, %mul3A_90, %dma_wait3A_96] : memref<2x10240x128xf32, #tpu.memory_space<hbm>> -> memref<1x640x128xf32, #tpu.memory_space<hbm>>
      %dma_wait3A_98 = tpu.memref_squeeze %dma_wait3A_97 : memref<1x640x128xf32, #tpu.memory_space<hbm>> -> memref<640x128xf32, #tpu.memory_space<hbm>>
      %dma_wait3A_99 = arith.constant 0 : i32
      %dma_wait3A_100 = tpu.memref_slice %arg10[%mul3A_88, %dma_wait3A_99] : memref<10240x128xf32, #tpu.memory_space<vmem_shared>> -> memref<640x128xf32, #tpu.memory_space<vmem_shared>>
      tpu.wait_dma2 semaphore(%run_scoped3A : memref<!tpu.dma_semaphore, #tpu.memory_space<semaphore_mem>>) src(%dma_wait3A_100 : memref<640x128xf32, #tpu.memory_space<vmem_shared>>) dst(%dma_wait3A_98 : memref<640x128xf32, #tpu.memory_space<hbm>>)
      tpu.yield
    }) : () -> ()
    return
  }
}

#map = affine_map<(d0, d1) -> (0, 0)>
#map1 = affine_map<(d0, d1) -> (0, 0, 0)>
module attributes {stable_mosaic.version = 14 : i64} {
  func.func @_sc_agg(%arg0: i32, %arg1: i32, %arg2: memref<10240x128xf32, #tpu.memory_space<hbm>>, %arg3: memref<128x128xf32, #tpu.memory_space<hbm>>, %arg4: memref<2560x128xi32, #tpu.memory_space<hbm>>, %arg5: memref<2560x128xi32, #tpu.memory_space<hbm>>, %arg6: memref<2x10240x128xf32, #tpu.memory_space<hbm>>, %arg7: memref<40x128xi32, #tpu.memory_space<vmem>>, %arg8: memref<40x128xi32, #tpu.memory_space<vmem>>, %arg9: memref<2x128x128xf32, #tpu.memory_space<vmem>>, %arg10: memref<10240x128xf32, #tpu.memory_space<vmem_shared>>, %arg11: memref<!tpu.dma_semaphore, #tpu.memory_space<semaphore_mem>>, %arg12: memref<!tpu.dma_semaphore, #tpu.memory_space<semaphore_mem>>) attributes {dimension_semantics = [#tpu.dimension_semantics<core_parallel>, #tpu.dimension_semantics<subcore_parallel>], iteration_bounds = array<i64: 2, 16>, scalar_prefetch = 0 : i64, scratch_operands = 6 : i64, tpu.core_type = #tpu.core_type<sc_vector_subcore>, window_params = [{transform_indices = #map}, {transform_indices = #map}, {transform_indices = #map}, {transform_indices = #map}, {transform_indices = #map1}]} {
    %mul3A = arith.constant 2 : i32
    %mul3A_0 = arith.muli %arg1, %mul3A : i32
    %add3A = arith.addi %mul3A_0, %arg0 : i32
    %mul3A_1 = arith.constant 640 : i32
    %mul3A_2 = arith.muli %arg1, %mul3A_1 : i32
    %add3A_3 = arith.constant 0 : i32
    %add3A_4 = arith.addi %mul3A_2, %add3A_3 : i32
    "tpu.region"() ({
      %run_scoped3A = tpu.sem_alloc : memref<!tpu.dma_semaphore, #tpu.memory_space<semaphore_mem>>
      %dma_start3A_91 = arith.constant 0 : i32
      %dma_start3A_92 = tpu.memref_slice %arg10[%add3A_4, %dma_start3A_91] : memref<10240x128xf32, #tpu.memory_space<vmem_shared>> -> memref<128x128xf32, #tpu.memory_space<vmem_shared>>
      tpu.enqueue_dma source(%arg3 : memref<128x128xf32, #tpu.memory_space<hbm>>) target(%dma_start3A_92 : memref<128x128xf32, #tpu.memory_space<vmem_shared>>) target_semaphore(%run_scoped3A : memref<!tpu.dma_semaphore, #tpu.memory_space<semaphore_mem>>)
      %dma_wait3A_93 = arith.constant 0 : i32
      %dma_wait3A_94 = tpu.memref_slice %arg10[%add3A_4, %dma_wait3A_93] : memref<10240x128xf32, #tpu.memory_space<vmem_shared>> -> memref<128x128xf32, #tpu.memory_space<vmem_shared>>
      tpu.wait_dma2 semaphore(%run_scoped3A : memref<!tpu.dma_semaphore, #tpu.memory_space<semaphore_mem>>) src(%arg3 : memref<128x128xf32, #tpu.memory_space<hbm>>) dst(%dma_wait3A_94 : memref<128x128xf32, #tpu.memory_space<vmem_shared>>)
      tpu.yield
    }) : () -> ()
    %mul3A_5 = arith.constant 640 : i32
    %mul3A_6 = arith.muli %arg1, %mul3A_5 : i32
    %add3A_7 = arith.constant 128 : i32
    %add3A_8 = arith.addi %mul3A_6, %add3A_7 : i32
    "tpu.region"() ({
      %run_scoped3A = tpu.sem_alloc : memref<!tpu.dma_semaphore, #tpu.memory_space<semaphore_mem>>
      %dma_start3A_91 = arith.constant 0 : i32
      %dma_start3A_92 = tpu.memref_slice %arg10[%add3A_8, %dma_start3A_91] : memref<10240x128xf32, #tpu.memory_space<vmem_shared>> -> memref<128x128xf32, #tpu.memory_space<vmem_shared>>
      tpu.enqueue_dma source(%arg3 : memref<128x128xf32, #tpu.memory_space<hbm>>) target(%dma_start3A_92 : memref<128x128xf32, #tpu.memory_space<vmem_shared>>) target_semaphore(%run_scoped3A : memref<!tpu.dma_semaphore, #tpu.memory_space<semaphore_mem>>)
      %dma_wait3A_93 = arith.constant 0 : i32
      %dma_wait3A_94 = tpu.memref_slice %arg10[%add3A_8, %dma_wait3A_93] : memref<10240x128xf32, #tpu.memory_space<vmem_shared>> -> memref<128x128xf32, #tpu.memory_space<vmem_shared>>
      tpu.wait_dma2 semaphore(%run_scoped3A : memref<!tpu.dma_semaphore, #tpu.memory_space<semaphore_mem>>) src(%arg3 : memref<128x128xf32, #tpu.memory_space<hbm>>) dst(%dma_wait3A_94 : memref<128x128xf32, #tpu.memory_space<vmem_shared>>)
      tpu.yield
    }) : () -> ()
    %mul3A_9 = arith.constant 640 : i32
    %mul3A_10 = arith.muli %arg1, %mul3A_9 : i32
    %add3A_11 = arith.constant 256 : i32
    %add3A_12 = arith.addi %mul3A_10, %add3A_11 : i32
    "tpu.region"() ({
      %run_scoped3A = tpu.sem_alloc : memref<!tpu.dma_semaphore, #tpu.memory_space<semaphore_mem>>
      %dma_start3A_91 = arith.constant 0 : i32
      %dma_start3A_92 = tpu.memref_slice %arg10[%add3A_12, %dma_start3A_91] : memref<10240x128xf32, #tpu.memory_space<vmem_shared>> -> memref<128x128xf32, #tpu.memory_space<vmem_shared>>
      tpu.enqueue_dma source(%arg3 : memref<128x128xf32, #tpu.memory_space<hbm>>) target(%dma_start3A_92 : memref<128x128xf32, #tpu.memory_space<vmem_shared>>) target_semaphore(%run_scoped3A : memref<!tpu.dma_semaphore, #tpu.memory_space<semaphore_mem>>)
      %dma_wait3A_93 = arith.constant 0 : i32
      %dma_wait3A_94 = tpu.memref_slice %arg10[%add3A_12, %dma_wait3A_93] : memref<10240x128xf32, #tpu.memory_space<vmem_shared>> -> memref<128x128xf32, #tpu.memory_space<vmem_shared>>
      tpu.wait_dma2 semaphore(%run_scoped3A : memref<!tpu.dma_semaphore, #tpu.memory_space<semaphore_mem>>) src(%arg3 : memref<128x128xf32, #tpu.memory_space<hbm>>) dst(%dma_wait3A_94 : memref<128x128xf32, #tpu.memory_space<vmem_shared>>)
      tpu.yield
    }) : () -> ()
    %mul3A_13 = arith.constant 640 : i32
    %mul3A_14 = arith.muli %arg1, %mul3A_13 : i32
    %add3A_15 = arith.constant 384 : i32
    %add3A_16 = arith.addi %mul3A_14, %add3A_15 : i32
    "tpu.region"() ({
      %run_scoped3A = tpu.sem_alloc : memref<!tpu.dma_semaphore, #tpu.memory_space<semaphore_mem>>
      %dma_start3A_91 = arith.constant 0 : i32
      %dma_start3A_92 = tpu.memref_slice %arg10[%add3A_16, %dma_start3A_91] : memref<10240x128xf32, #tpu.memory_space<vmem_shared>> -> memref<128x128xf32, #tpu.memory_space<vmem_shared>>
      tpu.enqueue_dma source(%arg3 : memref<128x128xf32, #tpu.memory_space<hbm>>) target(%dma_start3A_92 : memref<128x128xf32, #tpu.memory_space<vmem_shared>>) target_semaphore(%run_scoped3A : memref<!tpu.dma_semaphore, #tpu.memory_space<semaphore_mem>>)
      %dma_wait3A_93 = arith.constant 0 : i32
      %dma_wait3A_94 = tpu.memref_slice %arg10[%add3A_16, %dma_wait3A_93] : memref<10240x128xf32, #tpu.memory_space<vmem_shared>> -> memref<128x128xf32, #tpu.memory_space<vmem_shared>>
      tpu.wait_dma2 semaphore(%run_scoped3A : memref<!tpu.dma_semaphore, #tpu.memory_space<semaphore_mem>>) src(%arg3 : memref<128x128xf32, #tpu.memory_space<hbm>>) dst(%dma_wait3A_94 : memref<128x128xf32, #tpu.memory_space<vmem_shared>>)
      tpu.yield
    }) : () -> ()
    %mul3A_17 = arith.constant 640 : i32
    %mul3A_18 = arith.muli %arg1, %mul3A_17 : i32
    %add3A_19 = arith.constant 512 : i32
    %add3A_20 = arith.addi %mul3A_18, %add3A_19 : i32
    "tpu.region"() ({
      %run_scoped3A = tpu.sem_alloc : memref<!tpu.dma_semaphore, #tpu.memory_space<semaphore_mem>>
      %dma_start3A_91 = arith.constant 0 : i32
      %dma_start3A_92 = tpu.memref_slice %arg10[%add3A_20, %dma_start3A_91] : memref<10240x128xf32, #tpu.memory_space<vmem_shared>> -> memref<128x128xf32, #tpu.memory_space<vmem_shared>>
      tpu.enqueue_dma source(%arg3 : memref<128x128xf32, #tpu.memory_space<hbm>>) target(%dma_start3A_92 : memref<128x128xf32, #tpu.memory_space<vmem_shared>>) target_semaphore(%run_scoped3A : memref<!tpu.dma_semaphore, #tpu.memory_space<semaphore_mem>>)
      %dma_wait3A_93 = arith.constant 0 : i32
      %dma_wait3A_94 = tpu.memref_slice %arg10[%add3A_20, %dma_wait3A_93] : memref<10240x128xf32, #tpu.memory_space<vmem_shared>> -> memref<128x128xf32, #tpu.memory_space<vmem_shared>>
      tpu.wait_dma2 semaphore(%run_scoped3A : memref<!tpu.dma_semaphore, #tpu.memory_space<semaphore_mem>>) src(%arg3 : memref<128x128xf32, #tpu.memory_space<hbm>>) dst(%dma_wait3A_94 : memref<128x128xf32, #tpu.memory_space<vmem_shared>>)
      tpu.yield
    }) : () -> ()
    %barrier3A = arith.constant 0 : index
    tpu.barrier barrier_id(%barrier3A)
    %mul3A_21 = arith.constant 80 : i32
    %mul3A_22 = arith.muli %add3A, %mul3A_21 : i32
    %add3A_23 = arith.constant 0 : i32
    %add3A_24 = arith.addi %mul3A_22, %add3A_23 : i32
    "tpu.region"() ({
      %run_scoped3A = tpu.sem_alloc : memref<!tpu.dma_semaphore, #tpu.memory_space<semaphore_mem>>
      %dma_start3A_91 = arith.constant 0 : i32
      %dma_start3A_92 = tpu.memref_slice %arg4[%add3A_24, %dma_start3A_91] : memref<2560x128xi32, #tpu.memory_space<hbm>> -> memref<40x128xi32, #tpu.memory_space<hbm>>
      %dma_start3A_93 = arith.constant 0 : i32
      %dma_start3A_94 = tpu.memref_slice %arg4[%add3A_24, %dma_start3A_93] : memref<2560x128xi32, #tpu.memory_space<hbm>> -> memref<40x128xi32, #tpu.memory_space<hbm>>
      tpu.enqueue_dma source(%dma_start3A_94 : memref<40x128xi32, #tpu.memory_space<hbm>>) target(%arg7 : memref<40x128xi32, #tpu.memory_space<vmem>>) target_semaphore(%run_scoped3A : memref<!tpu.dma_semaphore, #tpu.memory_space<semaphore_mem>>)
      %dma_wait3A_95 = arith.constant 0 : i32
      %dma_wait3A_96 = tpu.memref_slice %arg4[%add3A_24, %dma_wait3A_95] : memref<2560x128xi32, #tpu.memory_space<hbm>> -> memref<40x128xi32, #tpu.memory_space<hbm>>
      %dma_wait3A_97 = arith.constant 0 : i32
      %dma_wait3A_98 = tpu.memref_slice %arg4[%add3A_24, %dma_wait3A_97] : memref<2560x128xi32, #tpu.memory_space<hbm>> -> memref<40x128xi32, #tpu.memory_space<hbm>>
      tpu.wait_dma2 semaphore(%run_scoped3A : memref<!tpu.dma_semaphore, #tpu.memory_space<semaphore_mem>>) src(%dma_wait3A_98 : memref<40x128xi32, #tpu.memory_space<hbm>>) dst(%arg7 : memref<40x128xi32, #tpu.memory_space<vmem>>)
      tpu.yield
    }) : () -> ()
    "tpu.region"() ({
      %run_scoped3A = tpu.sem_alloc : memref<!tpu.dma_semaphore, #tpu.memory_space<semaphore_mem>>
      %dma_start3A_91 = arith.constant 0 : i32
      %dma_start3A_92 = tpu.memref_slice %arg5[%add3A_24, %dma_start3A_91] : memref<2560x128xi32, #tpu.memory_space<hbm>> -> memref<40x128xi32, #tpu.memory_space<hbm>>
      %dma_start3A_93 = arith.constant 0 : i32
      %dma_start3A_94 = tpu.memref_slice %arg5[%add3A_24, %dma_start3A_93] : memref<2560x128xi32, #tpu.memory_space<hbm>> -> memref<40x128xi32, #tpu.memory_space<hbm>>
      tpu.enqueue_dma source(%dma_start3A_94 : memref<40x128xi32, #tpu.memory_space<hbm>>) target(%arg8 : memref<40x128xi32, #tpu.memory_space<vmem>>) target_semaphore(%run_scoped3A : memref<!tpu.dma_semaphore, #tpu.memory_space<semaphore_mem>>)
      %dma_wait3A_95 = arith.constant 0 : i32
      %dma_wait3A_96 = tpu.memref_slice %arg5[%add3A_24, %dma_wait3A_95] : memref<2560x128xi32, #tpu.memory_space<hbm>> -> memref<40x128xi32, #tpu.memory_space<hbm>>
      %dma_wait3A_97 = arith.constant 0 : i32
      %dma_wait3A_98 = tpu.memref_slice %arg5[%add3A_24, %dma_wait3A_97] : memref<2560x128xi32, #tpu.memory_space<hbm>> -> memref<40x128xi32, #tpu.memory_space<hbm>>
      tpu.wait_dma2 semaphore(%run_scoped3A : memref<!tpu.dma_semaphore, #tpu.memory_space<semaphore_mem>>) src(%dma_wait3A_98 : memref<40x128xi32, #tpu.memory_space<hbm>>) dst(%arg8 : memref<40x128xi32, #tpu.memory_space<vmem>>)
      tpu.yield
    }) : () -> ()
    %dma_start3A = arith.constant 0 : i32
    %dma_start3A_25 = arith.constant 0 : i32
    %dma_start3A_26 = arith.constant 0 : i32
    %dma_start3A_27 = arith.constant 0 : i32
    %dma_start3A_28 = tpu.memref_slice %arg9[%dma_start3A_25, %dma_start3A_26, %dma_start3A_27] : memref<2x128x128xf32, #tpu.memory_space<vmem>> -> memref<1x128x128xf32, #tpu.memory_space<vmem>>
    %dma_start3A_29 = tpu.memref_squeeze %dma_start3A_28 : memref<1x128x128xf32, #tpu.memory_space<vmem>> -> memref<128x128xf32, #tpu.memory_space<vmem>>
    %dma_start3A_30 = arith.constant 0 : i32
    %dma_start3A_31 = tpu.memref_slice %arg7[%dma_start3A, %dma_start3A_30] : memref<40x128xi32, #tpu.memory_space<vmem>> -> memref<1x128xi32, #tpu.memory_space<vmem>>
    %dma_start3A_32 = tpu.memref_squeeze %dma_start3A_31 : memref<1x128xi32, #tpu.memory_space<vmem>> -> memref<128xi32, #tpu.memory_space<vmem>>
    %dma_start3A_33 = arith.constant 0 : i32
    %dma_start3A_34 = arith.constant 0 : i32
    %dma_start3A_35 = tpu.memref_slice %arg2[%dma_start3A_33, %dma_start3A_34] : memref<10240x128xf32, #tpu.memory_space<hbm>> -> memref<10240x128xf32, #tpu.memory_space<hbm>>
    tpu.enqueue_indirect_dma source(%dma_start3A_35 : memref<10240x128xf32, #tpu.memory_space<hbm>>) target(%dma_start3A_29 : memref<128x128xf32, #tpu.memory_space<vmem>>) offsets(%dma_start3A_32 : memref<128xi32, #tpu.memory_space<vmem>>) semaphore(%arg11 : memref<!tpu.dma_semaphore, #tpu.memory_space<semaphore_mem>>)
    %scan3A = arith.constant 0 : i32
    %scan3A_36 = arith.constant 0 : i32
    %scan3A_37 = arith.constant 40 : i32
    %scan3A_38 = arith.addi %scan3A_36, %scan3A_37 : i32
    %scan3A_39 = arith.constant 1 : i32
    scf.for %scan3A_91 = %scan3A_36 to %scan3A_38 step %scan3A_39  : i32 {
      %rem3A = arith.constant 2 : i32
      %rem3A_92 = arith.remsi %scan3A_91, %rem3A : i32
      %add3A_93 = arith.constant 1 : i32
      %add3A_94 = arith.addi %scan3A_91, %add3A_93 : i32
      %rem3A_95 = arith.constant 2 : i32
      %rem3A_96 = arith.remsi %add3A_94, %rem3A_95 : i32
      %dma_wait3A_97 = arith.constant 0 : i32
      %dma_wait3A_98 = arith.constant 0 : i32
      %dma_wait3A_99 = tpu.memref_slice %arg9[%rem3A_92, %dma_wait3A_97, %dma_wait3A_98] : memref<2x128x128xf32, #tpu.memory_space<vmem>> -> memref<1x128x128xf32, #tpu.memory_space<vmem>>
      %dma_wait3A_100 = tpu.memref_squeeze %dma_wait3A_99 : memref<1x128x128xf32, #tpu.memory_space<vmem>> -> memref<128x128xf32, #tpu.memory_space<vmem>>
      %dma_wait3A_101 = arith.constant 0 : i32
      %dma_wait3A_102 = tpu.memref_slice %arg7[%scan3A_91, %dma_wait3A_101] : memref<40x128xi32, #tpu.memory_space<vmem>> -> memref<1x128xi32, #tpu.memory_space<vmem>>
      %dma_wait3A_103 = tpu.memref_squeeze %dma_wait3A_102 : memref<1x128xi32, #tpu.memory_space<vmem>> -> memref<128xi32, #tpu.memory_space<vmem>>
      %dma_wait3A_104 = arith.constant 0 : i32
      %dma_wait3A_105 = arith.constant 0 : i32
      %dma_wait3A_106 = tpu.memref_slice %arg2[%dma_wait3A_104, %dma_wait3A_105] : memref<10240x128xf32, #tpu.memory_space<hbm>> -> memref<10240x128xf32, #tpu.memory_space<hbm>>
      tpu.wait_indirect_dma semaphore(%arg11 : memref<!tpu.dma_semaphore, #tpu.memory_space<semaphore_mem>>) src(%dma_wait3A_106 : memref<10240x128xf32, #tpu.memory_space<hbm>>) dst(%dma_wait3A_100 : memref<128x128xf32, #tpu.memory_space<vmem>>)
      %ge3A = arith.constant 1 : i32
      %ge3A_107 = arith.cmpi sge, %scan3A_91, %ge3A : i32
      %convert_element_type3A = arith.extui %ge3A_107 : i1 to i32
      %cond3A = arith.constant 0 : i32
      %cond3A_108 = arith.cmpi ne, %convert_element_type3A, %cond3A : i32
      scf.if %cond3A_108 {
        %sub3A = arith.constant 1 : i32
        %sub3A_123 = arith.subi %scan3A_91, %sub3A : i32
        %dma_wait3A_124 = arith.constant 0 : i32
        %dma_wait3A_125 = arith.constant 0 : i32
        %dma_wait3A_126 = tpu.memref_slice %arg9[%rem3A_96, %dma_wait3A_124, %dma_wait3A_125] : memref<2x128x128xf32, #tpu.memory_space<vmem>> -> memref<1x128x128xf32, #tpu.memory_space<vmem>>
        %dma_wait3A_127 = tpu.memref_squeeze %dma_wait3A_126 : memref<1x128x128xf32, #tpu.memory_space<vmem>> -> memref<128x128xf32, #tpu.memory_space<vmem>>
        %dma_wait3A_128 = arith.constant 0 : i32
        %dma_wait3A_129 = tpu.memref_slice %arg8[%sub3A_123, %dma_wait3A_128] : memref<40x128xi32, #tpu.memory_space<vmem>> -> memref<1x128xi32, #tpu.memory_space<vmem>>
        %dma_wait3A_130 = tpu.memref_squeeze %dma_wait3A_129 : memref<1x128xi32, #tpu.memory_space<vmem>> -> memref<128xi32, #tpu.memory_space<vmem>>
        %dma_wait3A_131 = arith.constant 0 : i32
        %dma_wait3A_132 = arith.constant 0 : i32
        %dma_wait3A_133 = tpu.memref_slice %arg10[%dma_wait3A_131, %dma_wait3A_132] : memref<10240x128xf32, #tpu.memory_space<vmem_shared>> -> memref<10240x128xf32, #tpu.memory_space<vmem_shared>>
        tpu.wait_indirect_dma semaphore(%arg12 : memref<!tpu.dma_semaphore, #tpu.memory_space<semaphore_mem>>) src(%dma_wait3A_127 : memref<128x128xf32, #tpu.memory_space<vmem>>) dst(%dma_wait3A_133 : memref<10240x128xf32, #tpu.memory_space<vmem_shared>>)
      } else {
      }
      %lt3A = arith.constant 39 : i32
      %lt3A_109 = arith.cmpi slt, %scan3A_91, %lt3A : i32
      %convert_element_type3A_110 = arith.extui %lt3A_109 : i1 to i32
      %cond3A_111 = arith.constant 0 : i32
      %cond3A_112 = arith.cmpi ne, %convert_element_type3A_110, %cond3A_111 : i32
      scf.if %cond3A_112 {
        %add3A_123 = arith.constant 1 : i32
        %add3A_124 = arith.addi %scan3A_91, %add3A_123 : i32
        %dma_start3A_125 = arith.constant 0 : i32
        %dma_start3A_126 = arith.constant 0 : i32
        %dma_start3A_127 = tpu.memref_slice %arg9[%rem3A_96, %dma_start3A_125, %dma_start3A_126] : memref<2x128x128xf32, #tpu.memory_space<vmem>> -> memref<1x128x128xf32, #tpu.memory_space<vmem>>
        %dma_start3A_128 = tpu.memref_squeeze %dma_start3A_127 : memref<1x128x128xf32, #tpu.memory_space<vmem>> -> memref<128x128xf32, #tpu.memory_space<vmem>>
        %dma_start3A_129 = arith.constant 0 : i32
        %dma_start3A_130 = tpu.memref_slice %arg7[%add3A_124, %dma_start3A_129] : memref<40x128xi32, #tpu.memory_space<vmem>> -> memref<1x128xi32, #tpu.memory_space<vmem>>
        %dma_start3A_131 = tpu.memref_squeeze %dma_start3A_130 : memref<1x128xi32, #tpu.memory_space<vmem>> -> memref<128xi32, #tpu.memory_space<vmem>>
        %dma_start3A_132 = arith.constant 0 : i32
        %dma_start3A_133 = arith.constant 0 : i32
        %dma_start3A_134 = tpu.memref_slice %arg2[%dma_start3A_132, %dma_start3A_133] : memref<10240x128xf32, #tpu.memory_space<hbm>> -> memref<10240x128xf32, #tpu.memory_space<hbm>>
        tpu.enqueue_indirect_dma source(%dma_start3A_134 : memref<10240x128xf32, #tpu.memory_space<hbm>>) target(%dma_start3A_128 : memref<128x128xf32, #tpu.memory_space<vmem>>) offsets(%dma_start3A_131 : memref<128xi32, #tpu.memory_space<vmem>>) semaphore(%arg11 : memref<!tpu.dma_semaphore, #tpu.memory_space<semaphore_mem>>)
      } else {
      }
      %dma_start3A_113 = arith.constant 0 : i32
      %dma_start3A_114 = arith.constant 0 : i32
      %dma_start3A_115 = tpu.memref_slice %arg9[%rem3A_92, %dma_start3A_113, %dma_start3A_114] : memref<2x128x128xf32, #tpu.memory_space<vmem>> -> memref<1x128x128xf32, #tpu.memory_space<vmem>>
      %dma_start3A_116 = tpu.memref_squeeze %dma_start3A_115 : memref<1x128x128xf32, #tpu.memory_space<vmem>> -> memref<128x128xf32, #tpu.memory_space<vmem>>
      %dma_start3A_117 = arith.constant 0 : i32
      %dma_start3A_118 = tpu.memref_slice %arg8[%scan3A_91, %dma_start3A_117] : memref<40x128xi32, #tpu.memory_space<vmem>> -> memref<1x128xi32, #tpu.memory_space<vmem>>
      %dma_start3A_119 = tpu.memref_squeeze %dma_start3A_118 : memref<1x128xi32, #tpu.memory_space<vmem>> -> memref<128xi32, #tpu.memory_space<vmem>>
      %dma_start3A_120 = arith.constant 0 : i32
      %dma_start3A_121 = arith.constant 0 : i32
      %dma_start3A_122 = tpu.memref_slice %arg10[%dma_start3A_120, %dma_start3A_121] : memref<10240x128xf32, #tpu.memory_space<vmem_shared>> -> memref<10240x128xf32, #tpu.memory_space<vmem_shared>>
      tpu.enqueue_indirect_dma source(%dma_start3A_116 : memref<128x128xf32, #tpu.memory_space<vmem>>) target(%dma_start3A_122 : memref<10240x128xf32, #tpu.memory_space<vmem_shared>>) offsets(%dma_start3A_119 : memref<128xi32, #tpu.memory_space<vmem>>) semaphore(%arg12 : memref<!tpu.dma_semaphore, #tpu.memory_space<semaphore_mem>>) {add = true}
    }
    %scan3A_40 = arith.constant 40 : i32
    %dma_wait3A = arith.constant 1 : i32
    %dma_wait3A_41 = arith.constant 39 : i32
    %dma_wait3A_42 = arith.constant 0 : i32
    %dma_wait3A_43 = arith.constant 0 : i32
    %dma_wait3A_44 = tpu.memref_slice %arg9[%dma_wait3A, %dma_wait3A_42, %dma_wait3A_43] : memref<2x128x128xf32, #tpu.memory_space<vmem>> -> memref<1x128x128xf32, #tpu.memory_space<vmem>>
    %dma_wait3A_45 = tpu.memref_squeeze %dma_wait3A_44 : memref<1x128x128xf32, #tpu.memory_space<vmem>> -> memref<128x128xf32, #tpu.memory_space<vmem>>
    %dma_wait3A_46 = arith.constant 0 : i32
    %dma_wait3A_47 = tpu.memref_slice %arg8[%dma_wait3A_41, %dma_wait3A_46] : memref<40x128xi32, #tpu.memory_space<vmem>> -> memref<1x128xi32, #tpu.memory_space<vmem>>
    %dma_wait3A_48 = tpu.memref_squeeze %dma_wait3A_47 : memref<1x128xi32, #tpu.memory_space<vmem>> -> memref<128xi32, #tpu.memory_space<vmem>>
    %dma_wait3A_49 = arith.constant 0 : i32
    %dma_wait3A_50 = arith.constant 0 : i32
    %dma_wait3A_51 = tpu.memref_slice %arg10[%dma_wait3A_49, %dma_wait3A_50] : memref<10240x128xf32, #tpu.memory_space<vmem_shared>> -> memref<10240x128xf32, #tpu.memory_space<vmem_shared>>
    tpu.wait_indirect_dma semaphore(%arg12 : memref<!tpu.dma_semaphore, #tpu.memory_space<semaphore_mem>>) src(%dma_wait3A_45 : memref<128x128xf32, #tpu.memory_space<vmem>>) dst(%dma_wait3A_51 : memref<10240x128xf32, #tpu.memory_space<vmem_shared>>)
    %mul3A_52 = arith.constant 80 : i32
    %mul3A_53 = arith.muli %add3A, %mul3A_52 : i32
    %add3A_54 = arith.constant 40 : i32
    %add3A_55 = arith.addi %mul3A_53, %add3A_54 : i32
    "tpu.region"() ({
      %run_scoped3A = tpu.sem_alloc : memref<!tpu.dma_semaphore, #tpu.memory_space<semaphore_mem>>
      %dma_start3A_91 = arith.constant 0 : i32
      %dma_start3A_92 = tpu.memref_slice %arg4[%add3A_55, %dma_start3A_91] : memref<2560x128xi32, #tpu.memory_space<hbm>> -> memref<40x128xi32, #tpu.memory_space<hbm>>
      %dma_start3A_93 = arith.constant 0 : i32
      %dma_start3A_94 = tpu.memref_slice %arg4[%add3A_55, %dma_start3A_93] : memref<2560x128xi32, #tpu.memory_space<hbm>> -> memref<40x128xi32, #tpu.memory_space<hbm>>
      tpu.enqueue_dma source(%dma_start3A_94 : memref<40x128xi32, #tpu.memory_space<hbm>>) target(%arg7 : memref<40x128xi32, #tpu.memory_space<vmem>>) target_semaphore(%run_scoped3A : memref<!tpu.dma_semaphore, #tpu.memory_space<semaphore_mem>>)
      %dma_wait3A_95 = arith.constant 0 : i32
      %dma_wait3A_96 = tpu.memref_slice %arg4[%add3A_55, %dma_wait3A_95] : memref<2560x128xi32, #tpu.memory_space<hbm>> -> memref<40x128xi32, #tpu.memory_space<hbm>>
      %dma_wait3A_97 = arith.constant 0 : i32
      %dma_wait3A_98 = tpu.memref_slice %arg4[%add3A_55, %dma_wait3A_97] : memref<2560x128xi32, #tpu.memory_space<hbm>> -> memref<40x128xi32, #tpu.memory_space<hbm>>
      tpu.wait_dma2 semaphore(%run_scoped3A : memref<!tpu.dma_semaphore, #tpu.memory_space<semaphore_mem>>) src(%dma_wait3A_98 : memref<40x128xi32, #tpu.memory_space<hbm>>) dst(%arg7 : memref<40x128xi32, #tpu.memory_space<vmem>>)
      tpu.yield
    }) : () -> ()
    "tpu.region"() ({
      %run_scoped3A = tpu.sem_alloc : memref<!tpu.dma_semaphore, #tpu.memory_space<semaphore_mem>>
      %dma_start3A_91 = arith.constant 0 : i32
      %dma_start3A_92 = tpu.memref_slice %arg5[%add3A_55, %dma_start3A_91] : memref<2560x128xi32, #tpu.memory_space<hbm>> -> memref<40x128xi32, #tpu.memory_space<hbm>>
      %dma_start3A_93 = arith.constant 0 : i32
      %dma_start3A_94 = tpu.memref_slice %arg5[%add3A_55, %dma_start3A_93] : memref<2560x128xi32, #tpu.memory_space<hbm>> -> memref<40x128xi32, #tpu.memory_space<hbm>>
      tpu.enqueue_dma source(%dma_start3A_94 : memref<40x128xi32, #tpu.memory_space<hbm>>) target(%arg8 : memref<40x128xi32, #tpu.memory_space<vmem>>) target_semaphore(%run_scoped3A : memref<!tpu.dma_semaphore, #tpu.memory_space<semaphore_mem>>)
      %dma_wait3A_95 = arith.constant 0 : i32
      %dma_wait3A_96 = tpu.memref_slice %arg5[%add3A_55, %dma_wait3A_95] : memref<2560x128xi32, #tpu.memory_space<hbm>> -> memref<40x128xi32, #tpu.memory_space<hbm>>
      %dma_wait3A_97 = arith.constant 0 : i32
      %dma_wait3A_98 = tpu.memref_slice %arg5[%add3A_55, %dma_wait3A_97] : memref<2560x128xi32, #tpu.memory_space<hbm>> -> memref<40x128xi32, #tpu.memory_space<hbm>>
      tpu.wait_dma2 semaphore(%run_scoped3A : memref<!tpu.dma_semaphore, #tpu.memory_space<semaphore_mem>>) src(%dma_wait3A_98 : memref<40x128xi32, #tpu.memory_space<hbm>>) dst(%arg8 : memref<40x128xi32, #tpu.memory_space<vmem>>)
      tpu.yield
    }) : () -> ()
    %dma_start3A_56 = arith.constant 0 : i32
    %dma_start3A_57 = arith.constant 0 : i32
    %dma_start3A_58 = arith.constant 0 : i32
    %dma_start3A_59 = arith.constant 0 : i32
    %dma_start3A_60 = tpu.memref_slice %arg9[%dma_start3A_57, %dma_start3A_58, %dma_start3A_59] : memref<2x128x128xf32, #tpu.memory_space<vmem>> -> memref<1x128x128xf32, #tpu.memory_space<vmem>>
    %dma_start3A_61 = tpu.memref_squeeze %dma_start3A_60 : memref<1x128x128xf32, #tpu.memory_space<vmem>> -> memref<128x128xf32, #tpu.memory_space<vmem>>
    %dma_start3A_62 = arith.constant 0 : i32
    %dma_start3A_63 = tpu.memref_slice %arg7[%dma_start3A_56, %dma_start3A_62] : memref<40x128xi32, #tpu.memory_space<vmem>> -> memref<1x128xi32, #tpu.memory_space<vmem>>
    %dma_start3A_64 = tpu.memref_squeeze %dma_start3A_63 : memref<1x128xi32, #tpu.memory_space<vmem>> -> memref<128xi32, #tpu.memory_space<vmem>>
    %dma_start3A_65 = arith.constant 0 : i32
    %dma_start3A_66 = arith.constant 0 : i32
    %dma_start3A_67 = tpu.memref_slice %arg2[%dma_start3A_65, %dma_start3A_66] : memref<10240x128xf32, #tpu.memory_space<hbm>> -> memref<10240x128xf32, #tpu.memory_space<hbm>>
    tpu.enqueue_indirect_dma source(%dma_start3A_67 : memref<10240x128xf32, #tpu.memory_space<hbm>>) target(%dma_start3A_61 : memref<128x128xf32, #tpu.memory_space<vmem>>) offsets(%dma_start3A_64 : memref<128xi32, #tpu.memory_space<vmem>>) semaphore(%arg11 : memref<!tpu.dma_semaphore, #tpu.memory_space<semaphore_mem>>)
    %scan3A_68 = arith.constant 0 : i32
    %scan3A_69 = arith.constant 0 : i32
    %scan3A_70 = arith.constant 40 : i32
    %scan3A_71 = arith.addi %scan3A_69, %scan3A_70 : i32
    %scan3A_72 = arith.constant 1 : i32
    scf.for %scan3A_91 = %scan3A_69 to %scan3A_71 step %scan3A_72  : i32 {
      %rem3A = arith.constant 2 : i32
      %rem3A_92 = arith.remsi %scan3A_91, %rem3A : i32
      %add3A_93 = arith.constant 1 : i32
      %add3A_94 = arith.addi %scan3A_91, %add3A_93 : i32
      %rem3A_95 = arith.constant 2 : i32
      %rem3A_96 = arith.remsi %add3A_94, %rem3A_95 : i32
      %dma_wait3A_97 = arith.constant 0 : i32
      %dma_wait3A_98 = arith.constant 0 : i32
      %dma_wait3A_99 = tpu.memref_slice %arg9[%rem3A_92, %dma_wait3A_97, %dma_wait3A_98] : memref<2x128x128xf32, #tpu.memory_space<vmem>> -> memref<1x128x128xf32, #tpu.memory_space<vmem>>
      %dma_wait3A_100 = tpu.memref_squeeze %dma_wait3A_99 : memref<1x128x128xf32, #tpu.memory_space<vmem>> -> memref<128x128xf32, #tpu.memory_space<vmem>>
      %dma_wait3A_101 = arith.constant 0 : i32
      %dma_wait3A_102 = tpu.memref_slice %arg7[%scan3A_91, %dma_wait3A_101] : memref<40x128xi32, #tpu.memory_space<vmem>> -> memref<1x128xi32, #tpu.memory_space<vmem>>
      %dma_wait3A_103 = tpu.memref_squeeze %dma_wait3A_102 : memref<1x128xi32, #tpu.memory_space<vmem>> -> memref<128xi32, #tpu.memory_space<vmem>>
      %dma_wait3A_104 = arith.constant 0 : i32
      %dma_wait3A_105 = arith.constant 0 : i32
      %dma_wait3A_106 = tpu.memref_slice %arg2[%dma_wait3A_104, %dma_wait3A_105] : memref<10240x128xf32, #tpu.memory_space<hbm>> -> memref<10240x128xf32, #tpu.memory_space<hbm>>
      tpu.wait_indirect_dma semaphore(%arg11 : memref<!tpu.dma_semaphore, #tpu.memory_space<semaphore_mem>>) src(%dma_wait3A_106 : memref<10240x128xf32, #tpu.memory_space<hbm>>) dst(%dma_wait3A_100 : memref<128x128xf32, #tpu.memory_space<vmem>>)
      %ge3A = arith.constant 1 : i32
      %ge3A_107 = arith.cmpi sge, %scan3A_91, %ge3A : i32
      %convert_element_type3A = arith.extui %ge3A_107 : i1 to i32
      %cond3A = arith.constant 0 : i32
      %cond3A_108 = arith.cmpi ne, %convert_element_type3A, %cond3A : i32
      scf.if %cond3A_108 {
        %sub3A = arith.constant 1 : i32
        %sub3A_123 = arith.subi %scan3A_91, %sub3A : i32
        %dma_wait3A_124 = arith.constant 0 : i32
        %dma_wait3A_125 = arith.constant 0 : i32
        %dma_wait3A_126 = tpu.memref_slice %arg9[%rem3A_96, %dma_wait3A_124, %dma_wait3A_125] : memref<2x128x128xf32, #tpu.memory_space<vmem>> -> memref<1x128x128xf32, #tpu.memory_space<vmem>>
        %dma_wait3A_127 = tpu.memref_squeeze %dma_wait3A_126 : memref<1x128x128xf32, #tpu.memory_space<vmem>> -> memref<128x128xf32, #tpu.memory_space<vmem>>
        %dma_wait3A_128 = arith.constant 0 : i32
        %dma_wait3A_129 = tpu.memref_slice %arg8[%sub3A_123, %dma_wait3A_128] : memref<40x128xi32, #tpu.memory_space<vmem>> -> memref<1x128xi32, #tpu.memory_space<vmem>>
        %dma_wait3A_130 = tpu.memref_squeeze %dma_wait3A_129 : memref<1x128xi32, #tpu.memory_space<vmem>> -> memref<128xi32, #tpu.memory_space<vmem>>
        %dma_wait3A_131 = arith.constant 0 : i32
        %dma_wait3A_132 = arith.constant 0 : i32
        %dma_wait3A_133 = tpu.memref_slice %arg10[%dma_wait3A_131, %dma_wait3A_132] : memref<10240x128xf32, #tpu.memory_space<vmem_shared>> -> memref<10240x128xf32, #tpu.memory_space<vmem_shared>>
        tpu.wait_indirect_dma semaphore(%arg12 : memref<!tpu.dma_semaphore, #tpu.memory_space<semaphore_mem>>) src(%dma_wait3A_127 : memref<128x128xf32, #tpu.memory_space<vmem>>) dst(%dma_wait3A_133 : memref<10240x128xf32, #tpu.memory_space<vmem_shared>>)
      } else {
      }
      %lt3A = arith.constant 39 : i32
      %lt3A_109 = arith.cmpi slt, %scan3A_91, %lt3A : i32
      %convert_element_type3A_110 = arith.extui %lt3A_109 : i1 to i32
      %cond3A_111 = arith.constant 0 : i32
      %cond3A_112 = arith.cmpi ne, %convert_element_type3A_110, %cond3A_111 : i32
      scf.if %cond3A_112 {
        %add3A_123 = arith.constant 1 : i32
        %add3A_124 = arith.addi %scan3A_91, %add3A_123 : i32
        %dma_start3A_125 = arith.constant 0 : i32
        %dma_start3A_126 = arith.constant 0 : i32
        %dma_start3A_127 = tpu.memref_slice %arg9[%rem3A_96, %dma_start3A_125, %dma_start3A_126] : memref<2x128x128xf32, #tpu.memory_space<vmem>> -> memref<1x128x128xf32, #tpu.memory_space<vmem>>
        %dma_start3A_128 = tpu.memref_squeeze %dma_start3A_127 : memref<1x128x128xf32, #tpu.memory_space<vmem>> -> memref<128x128xf32, #tpu.memory_space<vmem>>
        %dma_start3A_129 = arith.constant 0 : i32
        %dma_start3A_130 = tpu.memref_slice %arg7[%add3A_124, %dma_start3A_129] : memref<40x128xi32, #tpu.memory_space<vmem>> -> memref<1x128xi32, #tpu.memory_space<vmem>>
        %dma_start3A_131 = tpu.memref_squeeze %dma_start3A_130 : memref<1x128xi32, #tpu.memory_space<vmem>> -> memref<128xi32, #tpu.memory_space<vmem>>
        %dma_start3A_132 = arith.constant 0 : i32
        %dma_start3A_133 = arith.constant 0 : i32
        %dma_start3A_134 = tpu.memref_slice %arg2[%dma_start3A_132, %dma_start3A_133] : memref<10240x128xf32, #tpu.memory_space<hbm>> -> memref<10240x128xf32, #tpu.memory_space<hbm>>
        tpu.enqueue_indirect_dma source(%dma_start3A_134 : memref<10240x128xf32, #tpu.memory_space<hbm>>) target(%dma_start3A_128 : memref<128x128xf32, #tpu.memory_space<vmem>>) offsets(%dma_start3A_131 : memref<128xi32, #tpu.memory_space<vmem>>) semaphore(%arg11 : memref<!tpu.dma_semaphore, #tpu.memory_space<semaphore_mem>>)
      } else {
      }
      %dma_start3A_113 = arith.constant 0 : i32
      %dma_start3A_114 = arith.constant 0 : i32
      %dma_start3A_115 = tpu.memref_slice %arg9[%rem3A_92, %dma_start3A_113, %dma_start3A_114] : memref<2x128x128xf32, #tpu.memory_space<vmem>> -> memref<1x128x128xf32, #tpu.memory_space<vmem>>
      %dma_start3A_116 = tpu.memref_squeeze %dma_start3A_115 : memref<1x128x128xf32, #tpu.memory_space<vmem>> -> memref<128x128xf32, #tpu.memory_space<vmem>>
      %dma_start3A_117 = arith.constant 0 : i32
      %dma_start3A_118 = tpu.memref_slice %arg8[%scan3A_91, %dma_start3A_117] : memref<40x128xi32, #tpu.memory_space<vmem>> -> memref<1x128xi32, #tpu.memory_space<vmem>>
      %dma_start3A_119 = tpu.memref_squeeze %dma_start3A_118 : memref<1x128xi32, #tpu.memory_space<vmem>> -> memref<128xi32, #tpu.memory_space<vmem>>
      %dma_start3A_120 = arith.constant 0 : i32
      %dma_start3A_121 = arith.constant 0 : i32
      %dma_start3A_122 = tpu.memref_slice %arg10[%dma_start3A_120, %dma_start3A_121] : memref<10240x128xf32, #tpu.memory_space<vmem_shared>> -> memref<10240x128xf32, #tpu.memory_space<vmem_shared>>
      tpu.enqueue_indirect_dma source(%dma_start3A_116 : memref<128x128xf32, #tpu.memory_space<vmem>>) target(%dma_start3A_122 : memref<10240x128xf32, #tpu.memory_space<vmem_shared>>) offsets(%dma_start3A_119 : memref<128xi32, #tpu.memory_space<vmem>>) semaphore(%arg12 : memref<!tpu.dma_semaphore, #tpu.memory_space<semaphore_mem>>) {add = true}
    }
    %scan3A_73 = arith.constant 40 : i32
    %dma_wait3A_74 = arith.constant 1 : i32
    %dma_wait3A_75 = arith.constant 39 : i32
    %dma_wait3A_76 = arith.constant 0 : i32
    %dma_wait3A_77 = arith.constant 0 : i32
    %dma_wait3A_78 = tpu.memref_slice %arg9[%dma_wait3A_74, %dma_wait3A_76, %dma_wait3A_77] : memref<2x128x128xf32, #tpu.memory_space<vmem>> -> memref<1x128x128xf32, #tpu.memory_space<vmem>>
    %dma_wait3A_79 = tpu.memref_squeeze %dma_wait3A_78 : memref<1x128x128xf32, #tpu.memory_space<vmem>> -> memref<128x128xf32, #tpu.memory_space<vmem>>
    %dma_wait3A_80 = arith.constant 0 : i32
    %dma_wait3A_81 = tpu.memref_slice %arg8[%dma_wait3A_75, %dma_wait3A_80] : memref<40x128xi32, #tpu.memory_space<vmem>> -> memref<1x128xi32, #tpu.memory_space<vmem>>
    %dma_wait3A_82 = tpu.memref_squeeze %dma_wait3A_81 : memref<1x128xi32, #tpu.memory_space<vmem>> -> memref<128xi32, #tpu.memory_space<vmem>>
    %dma_wait3A_83 = arith.constant 0 : i32
    %dma_wait3A_84 = arith.constant 0 : i32
    %dma_wait3A_85 = tpu.memref_slice %arg10[%dma_wait3A_83, %dma_wait3A_84] : memref<10240x128xf32, #tpu.memory_space<vmem_shared>> -> memref<10240x128xf32, #tpu.memory_space<vmem_shared>>
    tpu.wait_indirect_dma semaphore(%arg12 : memref<!tpu.dma_semaphore, #tpu.memory_space<semaphore_mem>>) src(%dma_wait3A_79 : memref<128x128xf32, #tpu.memory_space<vmem>>) dst(%dma_wait3A_85 : memref<10240x128xf32, #tpu.memory_space<vmem_shared>>)
    %barrier3A_86 = arith.constant 0 : index
    tpu.barrier barrier_id(%barrier3A_86)
    %mul3A_87 = arith.constant 640 : i32
    %mul3A_88 = arith.muli %arg1, %mul3A_87 : i32
    %mul3A_89 = arith.constant 640 : i32
    %mul3A_90 = arith.muli %arg1, %mul3A_89 : i32
    "tpu.region"() ({
      %run_scoped3A = tpu.sem_alloc : memref<!tpu.dma_semaphore, #tpu.memory_space<semaphore_mem>>
      %dma_start3A_91 = arith.constant 0 : i32
      %dma_start3A_92 = tpu.memref_slice %arg6[%arg0, %mul3A_90, %dma_start3A_91] : memref<2x10240x128xf32, #tpu.memory_space<hbm>> -> memref<1x640x128xf32, #tpu.memory_space<hbm>>
      %dma_start3A_93 = tpu.memref_squeeze %dma_start3A_92 : memref<1x640x128xf32, #tpu.memory_space<hbm>> -> memref<640x128xf32, #tpu.memory_space<hbm>>
      %dma_start3A_94 = arith.constant 0 : i32
      %dma_start3A_95 = tpu.memref_slice %arg10[%mul3A_88, %dma_start3A_94] : memref<10240x128xf32, #tpu.memory_space<vmem_shared>> -> memref<640x128xf32, #tpu.memory_space<vmem_shared>>
      tpu.enqueue_dma source(%dma_start3A_95 : memref<640x128xf32, #tpu.memory_space<vmem_shared>>) target(%dma_start3A_93 : memref<640x128xf32, #tpu.memory_space<hbm>>) target_semaphore(%run_scoped3A : memref<!tpu.dma_semaphore, #tpu.memory_space<semaphore_mem>>)
      %dma_wait3A_96 = arith.constant 0 : i32
      %dma_wait3A_97 = tpu.memref_slice %arg6[%arg0, %mul3A_90, %dma_wait3A_96] : memref<2x10240x128xf32, #tpu.memory_space<hbm>> -> memref<1x640x128xf32, #tpu.memory_space<hbm>>
      %dma_wait3A_98 = tpu.memref_squeeze %dma_wait3A_97 : memref<1x640x128xf32, #tpu.memory_space<hbm>> -> memref<640x128xf32, #tpu.memory_space<hbm>>
      %dma_wait3A_99 = arith.constant 0 : i32
      %dma_wait3A_100 = tpu.memref_slice %arg10[%mul3A_88, %dma_wait3A_99] : memref<10240x128xf32, #tpu.memory_space<vmem_shared>> -> memref<640x128xf32, #tpu.memory_space<vmem_shared>>
      tpu.wait_dma2 semaphore(%run_scoped3A : memref<!tpu.dma_semaphore, #tpu.memory_space<semaphore_mem>>) src(%dma_wait3A_100 : memref<640x128xf32, #tpu.memory_space<vmem_shared>>) dst(%dma_wait3A_98 : memref<640x128xf32, #tpu.memory_space<hbm>>)
      tpu.yield
    }) : () -> ()
    return
  }
}

module attributes {stable_mosaic.version = 14 : i64} {
  func.func @_tc1_body(%arg0: i32, %arg1: memref<2x1024x8xf32, #tpu.memory_space<vmem>>, %arg2: memref<1024x128xf32, #tpu.memory_space<vmem>>, %arg3: memref<128x128xf32, #tpu.memory_space<vmem>>, %arg4: memref<1024x128xf32, #tpu.memory_space<vmem>>) attributes {dimension_semantics = [#tpu.dimension_semantics<arbitrary>], iteration_bounds = array<i64: 10>, scalar_prefetch = 0 : i64, scratch_operands = 0 : i64, tpu.core_type = #tpu.core_type<tc>, window_params = [{transform_indices = @transform_0, window_bounds = array<i64: 2, 1024, 8>}, {transform_indices = @transform_1, window_bounds = array<i64: 1024, 128>}, {pipeline_mode = #tpu.pipeline_mode<synchronous>, transform_indices = @transform_2, window_bounds = array<i64: 128, 128>}, {transform_indices = @transform_3, window_bounds = array<i64: 1024, 128>}]} {
    %get3A = arith.constant 0 : index
    %get3A_0 = arith.constant 0 : index
    %get3A_1 = vector.load %arg2[%get3A, %get3A_0] : memref<1024x128xf32, #tpu.memory_space<vmem>>, vector<1024x128xf32>
    %get3A_2 = arith.constant 0 : index
    %get3A_3 = arith.constant 0 : index
    %get3A_4 = vector.load %arg3[%get3A_2, %get3A_3] : memref<128x128xf32, #tpu.memory_space<vmem>>, vector<128x128xf32>
    %dot_general3A = arith.constant dense<0.000000e+00> : vector<1024x128xf32>
    %dot_general3A_5 = tpu.matmul %get3A_1, %get3A_4, %dot_general3A {dimension_numbers = #tpu.dot_dimension_numbers<[1], [0], [0], [1], [0, 0, 1, 1], [], []>, transpose_lhs_hint = false} : vector<1024x128xf32>, vector<128x128xf32>, vector<1024x128xf32> -> vector<1024x128xf32>
    %get3A_6 = arith.constant 0 : index
    %get3A_7 = arith.constant 0 : index
    %get3A_8 = arith.constant 0 : index
    %get3A_9 = vector.load %arg1[%get3A_6, %get3A_7, %get3A_8] : memref<2x1024x8xf32, #tpu.memory_space<vmem>>, vector<1x1024x1xf32>
    %get3A_10 = vector.shape_cast %get3A_9 : vector<1x1024x1xf32> to vector<1024x1xf32>
    %get3A_11 = arith.constant 1 : index
    %get3A_12 = arith.constant 0 : index
    %get3A_13 = arith.constant 0 : index
    %get3A_14 = vector.load %arg1[%get3A_11, %get3A_12, %get3A_13] : memref<2x1024x8xf32, #tpu.memory_space<vmem>>, vector<1x1024x1xf32>
    %get3A_15 = vector.shape_cast %get3A_14 : vector<1x1024x1xf32> to vector<1024x1xf32>
    %add3A = arith.addf %get3A_10, %get3A_15 : vector<1024x1xf32>
    %add3A_16 = arith.constant 1.000000e+00 : f32
    %add3A_17 = vector.broadcast %add3A_16 : f32 to vector<1024x1xf32>
    %add3A_18 = arith.addf %add3A, %add3A_17 : vector<1024x1xf32>
    %rsqrt3A = math.rsqrt %add3A_18 : vector<1024x1xf32>
    %mul3A = vector.broadcast %rsqrt3A : vector<1024x1xf32> to vector<1024x128xf32>
    %mul3A_19 = arith.mulf %dot_general3A_5, %mul3A : vector<1024x128xf32>
    %swap3A = arith.constant 0 : index
    %swap3A_20 = arith.constant 0 : index
    %swap3A_21 = vector.load %arg4[%swap3A, %swap3A_20] : memref<1024x128xf32, #tpu.memory_space<vmem>>, vector<1024x128xf32>
    tpu.vector_store %arg4[%swap3A, %swap3A_20], %mul3A_19 {strides = array<i32>} : memref<1024x128xf32, #tpu.memory_space<vmem>>, vector<1024x128xf32>,
    return
  }
  func.func @transform_0(%arg0: i32) -> (i32, i32, i32) {
    %c0_i32 = arith.constant 0 : i32
    %c0_i32_0 = arith.constant 0 : i32
    %c0_i32_1 = arith.constant 0 : i32
    return %c0_i32, %arg0, %c0_i32_0 : i32, i32, i32
  }
  func.func @transform_1(%arg0: i32) -> (i32, i32) {
    %c0_i32 = arith.constant 0 : i32
    %c0_i32_0 = arith.constant 0 : i32
    return %arg0, %c0_i32 : i32, i32
  }
  func.func @transform_2(%arg0: i32) -> (i32, i32) {
    %c0_i32 = arith.constant 0 : i32
    %c0_i32_0 = arith.constant 0 : i32
    %c0_i32_1 = arith.constant 0 : i32
    return %c0_i32, %c0_i32_0 : i32, i32
  }
  func.func @transform_3(%arg0: i32) -> (i32, i32) {
    %c0_i32 = arith.constant 0 : i32
    %c0_i32_0 = arith.constant 0 : i32
    return %arg0, %c0_i32 : i32, i32
  }
}

module attributes {stable_mosaic.version = 14 : i64} {
  func.func @_tc2_body(%arg0: i32, %arg1: memref<2x1024x8xf32, #tpu.memory_space<vmem>>, %arg2: memref<2x1024x128xf32, #tpu.memory_space<vmem>>, %arg3: memref<1024x128xf32, #tpu.memory_space<vmem>>, %arg4: memref<1x128xf32, #tpu.memory_space<vmem>>, %arg5: memref<128x128xf32, #tpu.memory_space<vmem>>, %arg6: memref<1024x128xf32, #tpu.memory_space<vmem>>) attributes {dimension_semantics = [#tpu.dimension_semantics<arbitrary>], iteration_bounds = array<i64: 10>, scalar_prefetch = 0 : i64, scratch_operands = 0 : i64, tpu.core_type = #tpu.core_type<tc>, window_params = [{transform_indices = @transform_0, window_bounds = array<i64: 2, 1024, 8>}, {transform_indices = @transform_1, window_bounds = array<i64: 2, 1024, 128>}, {transform_indices = @transform_2, window_bounds = array<i64: 1024, 128>}, {pipeline_mode = #tpu.pipeline_mode<synchronous>, transform_indices = @transform_3, window_bounds = array<i64: 1, 128>}, {pipeline_mode = #tpu.pipeline_mode<synchronous>, transform_indices = @transform_4, window_bounds = array<i64: 128, 128>}, {transform_indices = @transform_5, window_bounds = array<i64: 1024, 128>}]} {
    %get3A = arith.constant 0 : index
    %get3A_0 = arith.constant 0 : index
    %get3A_1 = arith.constant 0 : index
    %get3A_2 = vector.load %arg1[%get3A, %get3A_0, %get3A_1] : memref<2x1024x8xf32, #tpu.memory_space<vmem>>, vector<1x1024x1xf32>
    %get3A_3 = vector.shape_cast %get3A_2 : vector<1x1024x1xf32> to vector<1024x1xf32>
    %get3A_4 = arith.constant 1 : index
    %get3A_5 = arith.constant 0 : index
    %get3A_6 = arith.constant 0 : index
    %get3A_7 = vector.load %arg1[%get3A_4, %get3A_5, %get3A_6] : memref<2x1024x8xf32, #tpu.memory_space<vmem>>, vector<1x1024x1xf32>
    %get3A_8 = vector.shape_cast %get3A_7 : vector<1x1024x1xf32> to vector<1024x1xf32>
    %add3A = arith.addf %get3A_3, %get3A_8 : vector<1024x1xf32>
    %add3A_9 = arith.constant 1.000000e+00 : f32
    %add3A_10 = vector.broadcast %add3A_9 : f32 to vector<1024x1xf32>
    %add3A_11 = arith.addf %add3A, %add3A_10 : vector<1024x1xf32>
    %rsqrt3A = math.rsqrt %add3A_11 : vector<1024x1xf32>
    %get3A_12 = arith.constant 0 : index
    %get3A_13 = arith.constant 0 : index
    %get3A_14 = arith.constant 0 : index
    %get3A_15 = vector.load %arg2[%get3A_12, %get3A_13, %get3A_14] : memref<2x1024x128xf32, #tpu.memory_space<vmem>>, vector<1x1024x128xf32>
    %get3A_16 = vector.shape_cast %get3A_15 : vector<1x1024x128xf32> to vector<1024x128xf32>
    %get3A_17 = arith.constant 1 : index
    %get3A_18 = arith.constant 0 : index
    %get3A_19 = arith.constant 0 : index
    %get3A_20 = vector.load %arg2[%get3A_17, %get3A_18, %get3A_19] : memref<2x1024x128xf32, #tpu.memory_space<vmem>>, vector<1x1024x128xf32>
    %get3A_21 = vector.shape_cast %get3A_20 : vector<1x1024x128xf32> to vector<1024x128xf32>
    %add3A_22 = arith.addf %get3A_16, %get3A_21 : vector<1024x128xf32>
    %get3A_23 = arith.constant 0 : index
    %get3A_24 = arith.constant 0 : index
    %get3A_25 = vector.load %arg3[%get3A_23, %get3A_24] : memref<1024x128xf32, #tpu.memory_space<vmem>>, vector<1024x128xf32>
    %add3A_26 = arith.addf %add3A_22, %get3A_25 : vector<1024x128xf32>
    %mul3A = vector.broadcast %rsqrt3A : vector<1024x1xf32> to vector<1024x128xf32>
    %mul3A_27 = arith.mulf %add3A_26, %mul3A : vector<1024x128xf32>
    %get3A_28 = arith.constant 0 : index
    %get3A_29 = arith.constant 0 : index
    %get3A_30 = vector.load %arg4[%get3A_28, %get3A_29] : memref<1x128xf32, #tpu.memory_space<vmem>>, vector<1x128xf32>
    %add3A_31 = vector.broadcast %get3A_30 : vector<1x128xf32> to vector<1024x128xf32>
    %add3A_32 = arith.addf %mul3A_27, %add3A_31 : vector<1024x128xf32>
    %max3A = arith.constant 0.000000e+00 : f32
    %max3A_33 = vector.broadcast %max3A : f32 to vector<1024x128xf32>
    %max3A_34 = arith.maximumf %add3A_32, %max3A_33 : vector<1024x128xf32>
    %get3A_35 = arith.constant 0 : index
    %get3A_36 = arith.constant 0 : index
    %get3A_37 = vector.load %arg5[%get3A_35, %get3A_36] : memref<128x128xf32, #tpu.memory_space<vmem>>, vector<128x128xf32>
    %dot_general3A = arith.constant dense<0.000000e+00> : vector<1024x128xf32>
    %dot_general3A_38 = tpu.matmul %max3A_34, %get3A_37, %dot_general3A {dimension_numbers = #tpu.dot_dimension_numbers<[1], [0], [0], [1], [0, 0, 1, 1], [], []>, transpose_lhs_hint = false} : vector<1024x128xf32>, vector<128x128xf32>, vector<1024x128xf32> -> vector<1024x128xf32>
    %mul3A_39 = vector.broadcast %rsqrt3A : vector<1024x1xf32> to vector<1024x128xf32>
    %mul3A_40 = arith.mulf %dot_general3A_38, %mul3A_39 : vector<1024x128xf32>
    %swap3A = arith.constant 0 : index
    %swap3A_41 = arith.constant 0 : index
    %swap3A_42 = vector.load %arg6[%swap3A, %swap3A_41] : memref<1024x128xf32, #tpu.memory_space<vmem>>, vector<1024x128xf32>
    tpu.vector_store %arg6[%swap3A, %swap3A_41], %mul3A_40 {strides = array<i32>} : memref<1024x128xf32, #tpu.memory_space<vmem>>, vector<1024x128xf32>,
    return
  }
  func.func @transform_0(%arg0: i32) -> (i32, i32, i32) {
    %c0_i32 = arith.constant 0 : i32
    %c0_i32_0 = arith.constant 0 : i32
    %c0_i32_1 = arith.constant 0 : i32
    return %c0_i32, %arg0, %c0_i32_0 : i32, i32, i32
  }
  func.func @transform_1(%arg0: i32) -> (i32, i32, i32) {
    %c0_i32 = arith.constant 0 : i32
    %c0_i32_0 = arith.constant 0 : i32
    %c0_i32_1 = arith.constant 0 : i32
    return %c0_i32, %arg0, %c0_i32_0 : i32, i32, i32
  }
  func.func @transform_2(%arg0: i32) -> (i32, i32) {
    %c0_i32 = arith.constant 0 : i32
    %c0_i32_0 = arith.constant 0 : i32
    return %arg0, %c0_i32 : i32, i32
  }
  func.func @transform_3(%arg0: i32) -> (i32, i32) {
    %c0_i32 = arith.constant 0 : i32
    %c0_i32_0 = arith.constant 0 : i32
    %c0_i32_1 = arith.constant 0 : i32
    return %c0_i32, %c0_i32_0 : i32, i32
  }
  func.func @transform_4(%arg0: i32) -> (i32, i32) {
    %c0_i32 = arith.constant 0 : i32
    %c0_i32_0 = arith.constant 0 : i32
    %c0_i32_1 = arith.constant 0 : i32
    return %c0_i32, %c0_i32_0 : i32, i32
  }
  func.func @transform_5(%arg0: i32) -> (i32, i32) {
    %c0_i32 = arith.constant 0 : i32
    %c0_i32_0 = arith.constant 0 : i32
    return %arg0, %c0_i32 : i32, i32
  }
}

module attributes {stable_mosaic.version = 14 : i64} {
  func.func @_tc3_body(%arg0: i32, %arg1: memref<2x1024x8xf32, #tpu.memory_space<vmem>>, %arg2: memref<2x1024x128xf32, #tpu.memory_space<vmem>>, %arg3: memref<1024x128xf32, #tpu.memory_space<vmem>>, %arg4: memref<1x128xf32, #tpu.memory_space<vmem>>, %arg5: memref<1024x128xf32, #tpu.memory_space<vmem>>) attributes {dimension_semantics = [#tpu.dimension_semantics<arbitrary>], iteration_bounds = array<i64: 10>, scalar_prefetch = 0 : i64, scratch_operands = 0 : i64, tpu.core_type = #tpu.core_type<tc>, window_params = [{transform_indices = @transform_0, window_bounds = array<i64: 2, 1024, 8>}, {transform_indices = @transform_1, window_bounds = array<i64: 2, 1024, 128>}, {transform_indices = @transform_2, window_bounds = array<i64: 1024, 128>}, {pipeline_mode = #tpu.pipeline_mode<synchronous>, transform_indices = @transform_3, window_bounds = array<i64: 1, 128>}, {transform_indices = @transform_4, window_bounds = array<i64: 1024, 128>}]} {
    %get3A = arith.constant 0 : index
    %get3A_0 = arith.constant 0 : index
    %get3A_1 = arith.constant 0 : index
    %get3A_2 = vector.load %arg2[%get3A, %get3A_0, %get3A_1] : memref<2x1024x128xf32, #tpu.memory_space<vmem>>, vector<1x1024x128xf32>
    %get3A_3 = vector.shape_cast %get3A_2 : vector<1x1024x128xf32> to vector<1024x128xf32>
    %get3A_4 = arith.constant 1 : index
    %get3A_5 = arith.constant 0 : index
    %get3A_6 = arith.constant 0 : index
    %get3A_7 = vector.load %arg2[%get3A_4, %get3A_5, %get3A_6] : memref<2x1024x128xf32, #tpu.memory_space<vmem>>, vector<1x1024x128xf32>
    %get3A_8 = vector.shape_cast %get3A_7 : vector<1x1024x128xf32> to vector<1024x128xf32>
    %add3A = arith.addf %get3A_3, %get3A_8 : vector<1024x128xf32>
    %get3A_9 = arith.constant 0 : index
    %get3A_10 = arith.constant 0 : index
    %get3A_11 = vector.load %arg3[%get3A_9, %get3A_10] : memref<1024x128xf32, #tpu.memory_space<vmem>>, vector<1024x128xf32>
    %add3A_12 = arith.addf %add3A, %get3A_11 : vector<1024x128xf32>
    %get3A_13 = arith.constant 0 : index
    %get3A_14 = arith.constant 0 : index
    %get3A_15 = arith.constant 0 : index
    %get3A_16 = vector.load %arg1[%get3A_13, %get3A_14, %get3A_15] : memref<2x1024x8xf32, #tpu.memory_space<vmem>>, vector<1x1024x1xf32>
    %get3A_17 = vector.shape_cast %get3A_16 : vector<1x1024x1xf32> to vector<1024x1xf32>
    %get3A_18 = arith.constant 1 : index
    %get3A_19 = arith.constant 0 : index
    %get3A_20 = arith.constant 0 : index
    %get3A_21 = vector.load %arg1[%get3A_18, %get3A_19, %get3A_20] : memref<2x1024x8xf32, #tpu.memory_space<vmem>>, vector<1x1024x1xf32>
    %get3A_22 = vector.shape_cast %get3A_21 : vector<1x1024x1xf32> to vector<1024x1xf32>
    %add3A_23 = arith.addf %get3A_17, %get3A_22 : vector<1024x1xf32>
    %add3A_24 = arith.constant 1.000000e+00 : f32
    %add3A_25 = vector.broadcast %add3A_24 : f32 to vector<1024x1xf32>
    %add3A_26 = arith.addf %add3A_23, %add3A_25 : vector<1024x1xf32>
    %rsqrt3A = math.rsqrt %add3A_26 : vector<1024x1xf32>
    %mul3A = vector.broadcast %rsqrt3A : vector<1024x1xf32> to vector<1024x128xf32>
    %mul3A_27 = arith.mulf %add3A_12, %mul3A : vector<1024x128xf32>
    %get3A_28 = arith.constant 0 : index
    %get3A_29 = arith.constant 0 : index
    %get3A_30 = vector.load %arg4[%get3A_28, %get3A_29] : memref<1x128xf32, #tpu.memory_space<vmem>>, vector<1x128xf32>
    %add3A_31 = vector.broadcast %get3A_30 : vector<1x128xf32> to vector<1024x128xf32>
    %add3A_32 = arith.addf %mul3A_27, %add3A_31 : vector<1024x128xf32>
    %max3A = arith.constant 0.000000e+00 : f32
    %max3A_33 = vector.broadcast %max3A : f32 to vector<1024x128xf32>
    %max3A_34 = arith.maximumf %add3A_32, %max3A_33 : vector<1024x128xf32>
    %swap3A = arith.constant 0 : index
    %swap3A_35 = arith.constant 0 : index
    %swap3A_36 = vector.load %arg5[%swap3A, %swap3A_35] : memref<1024x128xf32, #tpu.memory_space<vmem>>, vector<1024x128xf32>
    tpu.vector_store %arg5[%swap3A, %swap3A_35], %max3A_34 {strides = array<i32>} : memref<1024x128xf32, #tpu.memory_space<vmem>>, vector<1024x128xf32>,
    return
  }
  func.func @transform_0(%arg0: i32) -> (i32, i32, i32) {
    %c0_i32 = arith.constant 0 : i32
    %c0_i32_0 = arith.constant 0 : i32
    %c0_i32_1 = arith.constant 0 : i32
    return %c0_i32, %arg0, %c0_i32_0 : i32, i32, i32
  }
  func.func @transform_1(%arg0: i32) -> (i32, i32, i32) {
    %c0_i32 = arith.constant 0 : i32
    %c0_i32_0 = arith.constant 0 : i32
    %c0_i32_1 = arith.constant 0 : i32
    return %c0_i32, %arg0, %c0_i32_0 : i32, i32, i32
  }
  func.func @transform_2(%arg0: i32) -> (i32, i32) {
    %c0_i32 = arith.constant 0 : i32
    %c0_i32_0 = arith.constant 0 : i32
    return %arg0, %c0_i32 : i32, i32
  }
  func.func @transform_3(%arg0: i32) -> (i32, i32) {
    %c0_i32 = arith.constant 0 : i32
    %c0_i32_0 = arith.constant 0 : i32
    %c0_i32_1 = arith.constant 0 : i32
    return %c0_i32, %c0_i32_0 : i32, i32
  }
  func.func @transform_4(%arg0: i32) -> (i32, i32) {
    %c0_i32 = arith.constant 0 : i32
    %c0_i32_0 = arith.constant 0 : i32
    return %arg0, %c0_i32 : i32, i32
  }
}

</mosaic_0001>

<sc_bundles>
// kernel: kernel.11.cloned.1.call-start
scs
__scs_entry_jumppad:
0x0: {  	(pc) =	sbr.rel $0x88, $3  }
0x1: {  	(tag) =	ssettag $0x0;
	lr =	simm.s32 $0x1  }
0x2: {  	[smem:$0x3F9B] =	sst lr;
	_ =	strace $0xD0000000  }
0x3: {  	_ = 	snop  }
0x4: {  	_ = 	snop  }
0x5: {  	_ = 	snop  }
0x6: {  	_ = 	snop  }
0x7: {  	_ = 	snop  }
__scs_overlays_trampoline_lowered:
0x8: {  	[smem:$0x3FAA] =	sst s0  }
0x9: {  	[smem:$0x3FAB] =	sst s1  }
0xa: {  	[smem:$0x3FAC] =	sst s2  }
0xb: {  	[smem:$0x3FAD] =	sst s3  }
0xc: {  	[smem:$0x3FAE] =	sst s4  }
0xd: {  	[smem:$0x3FAF] =	sst s5  }
0xe: {  	[smem:$0x3FB0] =	sst s6  }
0xf: {  	[smem:$0x3FB1] =	sst s7  }
0x10: {  	[smem:$0x3FB2] =	sst s8  }
0x11: {  	[smem:$0x3FB3] =	sst s9;
	s0 =	simm.s32 @!p0 $0x0  }
0x12: {  	s1 =	sld [smem:$0x3F99];
	s0 =	simm.s32 @p0 $0x1  }
0x13: {  	[smem:$0x3FB4] =	sst s0;
	s0 =	simm.s32 @!p1 $0x0  }
0x14: {  	s2 =	sld [smem:$0x3F98];
	s0 =	simm.s32 @p1 $0x1  }
0x15: {  	[smem:$0x3FB5] =	sst s0;
	s0 =	simm.s32 @!p2 $0x0  }
0x16: {  	s3 =	sld [smem:$0x3FDB];
	s0 =	simm.s32 @p2 $0x1  }
0x17: {  	s4 =	simm.s32 $0x1BF5;
	[smem:$0x3FB7] =	sst s0  }
0x18: {  	s0 =	sld [smem:$0x3F9A];
	_ =	swait.ge [sflag:s4], $0x0  }
0x19: {  	s7 =	sld [smem:$0x3F9B]  }
0x1a: {  	s8 =	sadd.s32 $0xFFFFE003, lr  }
0x1b: {  	s9 =	sadd.s32 $0xFFFFFEF7, lr;
	s5 =	simm.s32 $0xFFFFFFFF;
	p2 =	slt.u32 s8, $0xFFFFF086  }
0x1c: {  	p1 =	slt.u32 s9, $0xF7A;
	s5 =	simm.s32 @!p2 $0x0  }
0x1d: {  	s5 =	simm.s32 @p1 $0x1;
	p0 =	seq.s32 s7, s2  }
0x1e: {  	s7 =	smul.u32 @!p0 $0xF7A, s2;
	p2 =	seq.s32 @!p0 s5, $0x0  }
0x1f: {  	s9 =	smul.u32 $0xF7A, s1;
	s8 =	simm.s32 @!p0 $0x1BF5;
	p2 =	por !p2, p0  }
0x20: {  	[sflag:s8] =	ssyncset.s32 @!p0 $0xFFFFF086;
	s6 =	sadd.s32 @!p0 s3, s7;
	s7 =	simm.s32 @!p0 $0x108  }
0x21: {  	s3 =	sadd.s32 s3, s9;
	s6 =	sadd.s32 @!p0 $0x88, s6;
	s7 =	simm.s32 @p2 $0x1082  }
0x22: {  	[simem:s7], [sflag:s8] =	dma.local @!p0 [hbm:s6], $0xF7A  }
0x23: {  	s9 =	sor.u32 $0xD0000000, s2;
	s6 =	simm.s32 $0x108;
	_ =	swait.ge @!p0 [sflag:s8], $0x0  }
0x24: {  	s3 =	sadd.s32 $0x88, s3;
	s6 =	simm.s32 @!p1 $0x1082;
	[sflag:s4] =	ssyncset.s32 $0xFFFFF086  }
0x25: {  	[simem:s6], [sflag:s4] =	dma.local [hbm:s3], $0xF7A  }
0x26: {  	[smem:$0x3F9B] =	sst s1;
	(tag) =	ssettag s2;
	_ =	strace s9  }
0x27: {  	s1 =	sld [smem:$0x3FAB]  }
0x28: {  	s2 =	sld [smem:$0x3FAC]  }
0x29: {  	s4 =	sld [smem:$0x3FAE]  }
0x2a: {  	p0 =	seq.s32 s5, $0x0;
	s5 =	sld [smem:$0x3FAF]  }
0x2b: {  	s6 =	sld [smem:$0x3FB0]  }
0x2c: {  	s7 =	sld [smem:$0x3FB1]  }
0x2d: {  	s3 =	simm.s32 $0x108;
	s8 =	sld [smem:$0x3FB2]  }
0x2e: {  	s3 =	simm.s32 @!p0 $0x1082;
	s9 =	sld [smem:$0x3FB3]  }
0x2f: {  	lr =	sadd.s32 s0, s3;
	s0 =	sld [smem:$0x3FAA]  }
0x30: {  	s3 =	sld [smem:$0x3FAD]  }
0x31: {  	[smem:$0x3FB6] =	sst s10  }
0x32: {  	s10 =	sld [smem:$0x3FB4];
	_ =	sdelay $0x3  }
0x33: {  	p0 =	seq.s32 s10, $0x1;
	s10 =	sld [smem:$0x3FB6];
	_ =	sdelay $0x3  }
0x34: {  	[smem:$0x3FB6] =	sst s10  }
0x35: {  	s10 =	sld [smem:$0x3FB5];
	_ =	sdelay $0x3  }
0x36: {  	p1 =	seq.s32 s10, $0x1;
	s10 =	sld [smem:$0x3FB6];
	_ =	sdelay $0x3  }
0x37: {  	[smem:$0x3FB6] =	sst s10  }
0x38: {  	s10 =	sld [smem:$0x3FB7]  }
0x39: {  	_ = 	snop;
	(pc) =	sbr.ind lr, $3  }
0x3a: {  	_ = 	snop  }
0x3b: {  	_ = 	snop  }
0x3c: {  	p2 =	seq.s32 s10, $0x1;
	s10 =	sld [smem:$0x3FB6]  }
0x3d: {  	_ =	shalt  }
0x3e: {  	_ =	shalt  }
0x3f: {  	_ =	shalt  }
0x40: {  	_ =	shalt  }
0x41: {  	_ =	shalt  }
0x42: {  	_ =	shalt  }
0x43: {  	_ =	shalt  }
0x44: {  	_ =	shalt  }
0x45: {  	_ =	shalt  }
0x46: {  	_ =	shalt  }
0x47: {  	_ =	shalt  }
0x48: {  	_ =	shalt  }
0x49: {  	_ =	shalt  }
0x4a: {  	_ =	shalt  }
0x4b: {  	_ =	shalt  }
0x4c: {  	_ =	shalt  }
0x4d: {  	_ =	shalt  }
0x4e: {  	_ =	shalt  }
0x4f: {  	_ =	shalt  }
0x50: {  	_ =	shalt  }
0x51: {  	_ =	shalt  }
0x52: {  	_ =	shalt  }
0x53: {  	_ =	shalt  }
0x54: {  	_ =	shalt  }
0x55: {  	_ =	shalt  }
0x56: {  	_ =	shalt  }
0x57: {  	_ =	shalt  }
0x58: {  	_ =	shalt  }
0x59: {  	_ =	shalt  }
0x5a: {  	_ =	shalt  }
0x5b: {  	_ =	shalt  }
0x5c: {  	_ =	shalt  }
0x5d: {  	_ =	shalt  }
0x5e: {  	_ =	shalt  }
0x5f: {  	_ =	shalt  }
0x60: {  	_ =	shalt  }
0x61: {  	_ =	shalt  }
0x62: {  	_ =	shalt  }
0x63: {  	_ =	shalt  }
0x64: {  	_ =	shalt  }
0x65: {  	_ =	shalt  }
0x66: {  	_ =	shalt  }
0x67: {  	_ =	shalt  }
0x68: {  	_ =	shalt  }
0x69: {  	_ =	shalt  }
0x6a: {  	_ =	shalt  }
0x6b: {  	_ =	shalt  }
0x6c: {  	_ =	shalt  }
0x6d: {  	_ =	shalt  }
0x6e: {  	_ =	shalt  }
0x6f: {  	_ =	shalt  }
0x70: {  	_ =	shalt  }
0x71: {  	_ =	shalt  }
0x72: {  	_ =	shalt  }
0x73: {  	_ =	shalt  }
0x74: {  	_ =	shalt  }
0x75: {  	_ =	shalt  }
0x76: {  	_ =	shalt  }
0x77: {  	_ =	shalt  }
0x78: {  	_ =	shalt  }
0x79: {  	_ =	shalt  }
0x7a: {  	_ =	shalt  }
0x7b: {  	_ =	shalt  }
0x7c: {  	_ =	shalt  }
0x7d: {  	_ =	shalt  }
0x7e: {  	_ =	shalt  }
0x7f: {  	_ =	shalt  }
0x80: {  	_ =	shalt  }
0x81: {  	_ =	shalt  }
0x82: {  	_ =	shalt  }
0x83: {  	_ =	shalt  }
0x84: {  	_ =	shalt  }
0x85: {  	_ =	shalt  }
0x86: {  	_ =	shalt  }
0x87: {  	_ =	shalt  }
.Lfunc_end0:
.L_simem_size_0:
called_computation.1_lowered:
.L_overlay_start_0:
0x88: {  	s2 =	sld [smem:$0x3FD9]  }
0x89: {  	s3 =	sld [smem:$0x3FFE];
	_ =	sdelay $0x1  }
0x8a: {  	s1 =	srdreg.scid  }
0x8b: {  	s0 =	sand.u32 $0x1, s1  }
0x8c: {  	s17 =	sshll.u32 s0, $0xA;
	s2 =	sadd.s32 s3, s2  }
0x8d: {  	s2 =	sadd.s32 s2, s17  }
0x8e: {  	[smem:$0x3FC2] =	sst s2  }
0x8f: {  	_ = 	snop  }
0x90: {  	s2 =	sld [smem:$0x3FD0];
	(tm) =	ssettm $0x1  }
0x91: {  	s18 =	sld [smem:$0x3FFB];
	_ =	sdelay $0x3  }
0x92: {  	_ =	strace s18  }
0x93: {  	s3 =	sld [smem:$0x3FFC];
	_ =	sdelay $0x3  }
0x94: {  	_ =	strace s3  }
0x95: {  	s3 =	sld [smem:$0x3FFD];
	_ =	sdelay $0x3  }
0x96: {  	_ =	strace s3  }
0x97: {  	_ =	strace $0x8FFFFFFF  }
0x98: {  	s19 =	sld [smem:$0x3FDB];
	_ =	sdelay $0x1  }
0x99: {  	s4 =	simm.s32 $_scs_section_size  }
0x9a: {  	s5 =	simm.s32 $_size__tile_overlayer_lowered;
	s6 =	simm.s32 $_tile_overlayer_lowered  }
0x9b: {  	s22 =	simm.s32 $0x1BFF;
	s21 =	sshll.u32 s6, $0x1;
	s3 =	sadd.s32 s4, s19  }
0x9c: {  	s7 =	simm.s32 $0x0;
	s20 =	sshll.u32 s5, $0x1;
	s5 =	sadd.s32 s21, s3  }
0x9d: {  	[timem:s7], [sflag:s22] =	dma.local [hbm:s5], s20  }
0x9e: {  	_ =	swait.ge [sflag:s22], s20  }
0x9f: {  	s4 =	ssub.s32 $0x0, s20;
	[sflag:s22] =	ssyncset.done $0x0  }
0xa0: {  	[sflag:s22] =	ssyncadd.s32 s4;
	_ =	sdelay $0x1  }
0xa1: {  	s23 =	simm.s32 $0x1B8B  }
0xa2: {  	_ =	swait.ge [sflag:s23], $0x1  }
0xa3: {  	[sflag:s23] =	ssyncset.done $0x0  }
0xa4: {  	s25 =	simm.s32 $0x1B8E;
	s24 =	sld [smem:$0x3FFE];
	[sflag:s23] =	ssyncadd.s32 $0xFFFFFFFF  }
0xa5: {  	s26 =	simm.s32 $execute0_lowered;
	[smem:$0x3FD2] =	sst s25  }
0xa6: {  	s5 =	sshll.u32 s26, $0x1;
	_ =	strace $0x80000049;
	[dreg:$0x1] =	wrdreg $0xFFFFFFFF  }
0xa7: {  	s28 =	simm.s32 $_size_execute0_lowered;
	s3 =	sadd.s32 s3, s5;
	[dreg:$0x0] =	wrdreg $0x0  }
0xa8: {  	s5 =	sshll.u32 s28, $0x1;
	[dreg:$0x2] =	wrdreg s3  }
0xa9: {  	[dreg:$0x3] =	wrdreg s5  }
0xaa: {  	[dreg:$0x4] =	wrdreg $0xC0  }
0xab: {  	_ =	task [dreg:s7], $0x5FFFF  }
0xac: {  	[dreg:$0x1] =	wrdreg $0xFFFFFFFF  }
0xad: {  	[dreg:$0x0] =	wrdreg $0x60  }
0xae: {  	[dreg:$0x2] =	wrdreg s24  }
0xaf: {  	[dreg:$0x3] =	wrdreg s2  }
0xb0: {  	[dreg:$0x4] =	wrdreg $0xA8000  }
0xb1: {  	[dreg:$0x5] =	wrdreg $0x9  }
0xb2: {  	_ =	task.clear_ibuf [dreg:s7], $0x6FFFF;
	_ =	strace $0x90000049  }
0xb3: {  	s29 =	simm.s32 $0x9;
	_ =	strace $0x8000004B  }
0xb4: {  	_ =	swait.ge [sflag:s29], $0x1  }
0xb5: {  	[sflag:s29] =	ssyncadd.s32 $0xFFFFFFFF  }
0xb6: {  	_ =	strace $0x9000004B  }
0xb7: {  	_ =	sfence  }
0xb8: {  	s30 =	sld [smem:$0x0];
	_ =	sdelay $0x2  }
0xb9: {  	s31 =	sshll.u32 s1, $0xD;
	s1 =	sshrl.u32 s1, $0x2  }
0xba: {  	s3 =	sand.u32 $0x4000, s31;
	s1 =	sadd.s32 s1, s30  }
0xbb: {  	s0 =	sor.u32 s3, s0;
	s1 =	sshll.u32 s1, $0x11  }
0xbc: {  	s0 =	sor.u32 s1, s0  }
0xbd: {  	s0 =	sadd.s32 $0x8F2B, s0  }
0xbe: {  	[sflag:s0] =	ssyncadd.remote.s32 $0x1  }
0xbf: {  	_ =	sfence.sel $0xFFFF  }
0xc0: {  	[dreg:$0x0] =	wrdreg $0xFFFFFFFF;
	(pc) =	sbr.abs _section_cstart, $3  }
0xc1: {  	[dreg:$0x1] =	wrdreg $0xFFFFFFFF  }
0xc2: {  	_ =	task.clear_ibuf [dreg:s7], $0x2FFFF;
	_ =	strace $0x9FFFFFFF  }
0xc3: {  	(tm) =	ssettm $0x7FFFFFFF  }
tec
execute0_lowered:
.L_overlay_start_1:
0x0: {  	(tag) =	ssettag $0x1  }
0x1: {  	s6 =	rddreg [dreg:$0x0]  }
0x2: {  	s9 =	rddreg [dreg:$0x1]  }
0x3: {  	s1 =	rddreg [dreg:$0x2];
	s2 =	srdreg.scid;
	s3 =	simm.s32 $0x0  }
0x4: {  	s20 =	simm.s32 $0x80;
	s21 =	simm.s32 $0x2800;
	s22 =	simm.s32 $0x1  }
0x5: {  	s23 =	simm.s32 $0x6800;
	s7 =	sand.u32 $0x1, s2;
	s2 =	stileid.u32  }
0x6: {  	[smem:$0x7FF] =	sst s3;
	s4 =	sadd.s32 $0xCE00, s6;
	s8 =	smul.u32 $0x140000, s7  }
0x7: {  	s5 =	sadd.s32 $0xC600, s6;
	s11 =	sadd.s32 $0x2600, s6;
	s10 =	smul.u32 $0x14000, s2  }
0x8: {  	_ =	strace $0x8000004A;
	s24 =	ssub.s32 $0x2, s7;
	s13 =	smul.u32 $0x50000, s2  }
0x9: {  	s25 =	sshll.u32 s2, $0x1;
	s28 =	sshll.u32 s2, $0x6;
	s12 =	sshrl.u32 s24, $0x1  }
0xa: {  	s7 =	sor.u32 s7, s25;
	s25 =	simm.s32 $0x2780;
	s8 =	sadd.s32 s10, s8  }
0xb: {  	s12 =	ssub.s32 s24, s12;
	s26 =	sshrl.u32 s13, $0x2;
	s29 =	smul.u32 $0x2800, s7  }
0xc: {  	s30 =	smul.u32 $0x500, s7;
	s24 =	simm.s32 $0x2;
	s8 =	sshrl.u32 s8, $0x3  }
0xd: {  	s13 =	sadd.s32 s26, s1;
	s12 =	smax.u32 s12, $0x1;
	s26 =	simm.s32 $0x0  }
0xe: {  	s14 =	sadd.s32 s8, s6;
	s6 =	sor.u32 $0x1C03, s28;
	s15 =	sadd.s32 $0x4000, s13  }
0xf: {  	s16 =	sadd.s32 $0x8000, s13;
	s17 =	sadd.s32 $0xC000, s13;
	s18 =	sadd.s32 $0x10000, s13  }
.Ltmp0:
0x10: {  	s19 =	sshrl.u32 s29, $0x3;
	s7 =	sadd.s32 s9, s30;
	(pc) =	sbr.rel .LBB2_1-.Ltmp0, $4  }
0x11: {  	s8 =	sadd.s32 s11, s30;
	s13 =	sshrl.u32 s13, $0x3;
	s31 =	sadd.s32 $0x280, s19  }
0x12: {  	s15 =	sshrl.u32 s15, $0x3;
	s16 =	sshrl.u32 s16, $0x3;
	s17 =	sshrl.u32 s17, $0x3  }
0x13: {  	s18 =	sshrl.u32 s18, $0x3;
	s19 =	simm.s32 $0x1400;
	s9 =	sadd.s32 s9, s31  }
0x14: {  	s10 =	sadd.s32 s11, s31;
	s11 =	sadd.s32 $0x34E00, s14;
	s14 =	simm.s32 $0x3  }
.LBB2_7:
0x15: {  	[spmem:s1] =	stream.indirect.scatter.add.f32 [tilespmem:s31], [sflag:$0x2], $0x80, s25, s20, $0xb8;
	[tilespmem:$0x1E800] =	vst v63  }
.LBB2_9:
0x16: {  	_ =	swait.ge [sflag:s24], $0x4000  }
0x17: {  	s26 =	sadd.s32 $0x1, s26;
	[sflag:s24] =	ssyncset.done $0x0  }
0x18: {  	p0 =	sne.s32 s26, s12;
	[sflag:s24] =	ssyncadd.s32 $0xFFFFC000  }
.Ltmp1:
0x19: {  	[bflag:$0x0] =	sbarrier.arrive $0xFFFF;
	(pc) =	sbr.rel @!p0 .LBB2_10-.Ltmp1, $4  }
0x1a: {  	[hbm:s11], [sflag:s6] =	dma.local [spmem:s13], $0x2800  }
0x1b: {  	_ =	swait.ge [sflag:s14], $0x2800  }
0x1c: {  	[sflag:s14] =	ssyncset.done $0x0  }
0x1d: {  	[sflag:s14] =	ssyncadd.s32 $0xFFFFD800  }
.LBB2_1:
0x1e: {  	[spmem:s13], [sflag:s6] =	dma.local [hbm:s5], $0x800  }
0x1f: {  	_ =	swait.ge [sflag:s14], $0x800  }
0x20: {  	[sflag:s14] =	ssyncset.done $0x0  }
0x21: {  	[sflag:s14] =	ssyncadd.s32 $0xFFFFF800  }
0x22: {  	[spmem:s15], [sflag:s6] =	dma.local [hbm:s5], $0x800  }
0x23: {  	_ =	swait.ge [sflag:s14], $0x800  }
0x24: {  	[sflag:s14] =	ssyncset.done $0x0  }
0x25: {  	[sflag:s14] =	ssyncadd.s32 $0xFFFFF800  }
0x26: {  	[spmem:s16], [sflag:s6] =	dma.local [hbm:s5], $0x800  }
0x27: {  	_ =	swait.ge [sflag:s14], $0x800  }
0x28: {  	[sflag:s14] =	ssyncset.done $0x0  }
0x29: {  	[sflag:s14] =	ssyncadd.s32 $0xFFFFF800  }
0x2a: {  	[spmem:s17], [sflag:s6] =	dma.local [hbm:s5], $0x800  }
0x2b: {  	_ =	swait.ge [sflag:s14], $0x800  }
0x2c: {  	[sflag:s14] =	ssyncset.done $0x0  }
0x2d: {  	[sflag:s14] =	ssyncadd.s32 $0xFFFFF800  }
0x2e: {  	[spmem:s18], [sflag:s6] =	dma.local [hbm:s5], $0x800  }
0x2f: {  	_ =	swait.ge [sflag:s14], $0x800  }
0x30: {  	[sflag:s14] =	ssyncset.done $0x0  }
0x31: {  	[sflag:s14] =	ssyncadd.s32 $0xFFFFF800  }
0x32: {  	[bflag:$0x0] =	sbarrier.arrive $0xFFFF  }
0x33: {  	[tilespmem:s3], [sflag:$0x3] =	stream.linear.gather [hbm4b:s7+s3], $0x1400, $0x38;
	[tilespmem:$0x1E800] =	vst v63  }
0x34: {  	_ =	swait.ge [sflag:s14], $0x1400  }
0x35: {  	[sflag:s14] =	ssyncset.done $0x0  }
0x36: {  	[sflag:s14] =	ssyncadd.s32 $0xFFFFEC00  }
0x37: {  	[tilespmem:s19], [sflag:$0x3] =	stream.linear.gather [hbm4b:s8+s3], $0x1400, $0x38;
	[tilespmem:$0x1E800] =	vst v63  }
0x38: {  	_ =	swait.ge [sflag:s14], $0x1400  }
0x39: {  	[sflag:s14] =	ssyncset.done $0x0  }
0x3a: {  	[sflag:s14] =	ssyncadd.s32 $0xFFFFEC00  }
0x3b: {  	[tilespmem:s21], [sflag:$0x1] =	stream.indirect.gather [hbm4b:s4+s20], $0x80, s3, s20, $0xb8;
	[tilespmem:$0x1E800] =	vst v63  }
0x3c: {  	_ =	swait.ge [sflag:s22], $0x4000  }
0x3d: {  	[sflag:s22] =	ssyncset.done $0x0  }
0x3e: {  	[sflag:s22] =	ssyncadd.s32 $0xFFFFC000  }
0x3f: {  	[tilespmem:s23], [sflag:$0x1] =	stream.indirect.gather [hbm4b:s4+s20], $0x80, s20, s20, $0xb8;
	[tilespmem:$0x1E800] =	vst v63  }
0x40: {  	s28 =	simm.s32 $0x1480;
	s29 =	simm.s32 $0x20000;
	s30 =	simm.s32 $0x100  }
0x41: {  	[spmem:s1] =	stream.indirect.scatter.add.f32 [tilespmem:s21], [sflag:$0x2], $0x80, s19, s20, $0xb8;
	[tilespmem:$0x1E800] =	vst v63  }
.LBB2_2:
0x42: {  	_ =	swait.ge [sflag:s22], $0x4000;
	p0 =	sne.s32 s29, $0x280000  }
.Ltmp2:
0x43: {  	[sflag:s22] =	ssyncset.done $0x0;
	(pc) =	sbr.rel @!p0 .LBB2_3-.Ltmp2, $4  }
0x44: {  	s31 =	sadd.s32 $0xFFFF0000, s29;
	[sflag:s22] =	ssyncadd.s32 $0xFFFFC000  }
0x45: {  	s31 =	sand.u32 $0x10000, s31;
	_ =	swait.ge [sflag:s24], $0x4000  }
0x46: {  	s31 =	sshrl.u32 s31, $0x2;
	[sflag:s24] =	ssyncset.done $0x0  }
0x47: {  	s31 =	sor.u32 $0x2800, s31;
	[sflag:s24] =	ssyncadd.s32 $0xFFFFC000  }
0x48: {  	s0 =	sand.u32 $0x10000, s29  }
0x49: {  	s29 =	sadd.s32 $0x10000, s29;
	s0 =	sshrl.u32 s0, $0x2  }
0x4a: {  	p0 =	sne.s32 s29, $0x290000;
	s0 =	sor.u32 $0x2800, s0  }
0x4b: {  	[tilespmem:s0], [sflag:$0x1] =	stream.indirect.gather [hbm4b:s4+s20], $0x80, s30, s20, $0xb8;
	[tilespmem:$0x1E800] =	vst v63  }
.Ltmp3:
0x4c: {  	_ = 	snop;
	(pc) =	sbr.rel @p0 .LBB2_2-.Ltmp3, $4  }
.Ltmp4:
0x4d: {  	_ = 	snop;
	(pc) =	sbr.rel @!p0 .LBB2_5-.Ltmp4, $4  }
0x4e: {  	_ = 	snop  }
0x4f: {  	[spmem:s1] =	stream.indirect.scatter.add.f32 [tilespmem:s31], [sflag:$0x2], $0x80, s28, s20, $0xb8;
	[tilespmem:$0x1E800] =	vst v63  }
0x50: {  	s30 =	sadd.s32 $0x80, s30;
	s28 =	sadd.s32 $0x80, s28  }
0x51: {  	_ = 	snop  }
.LBB2_3:
0x52: {  	[spmem:s1] =	stream.indirect.scatter.add.f32 [tilespmem:s31], [sflag:$0x2], $0x80, s25, s20, $0xb8;
	[tilespmem:$0x1E800] =	vst v63  }
.LBB2_5:
0x53: {  	_ =	swait.ge [sflag:s24], $0x4000  }
0x54: {  	[sflag:s24] =	ssyncset.done $0x0  }
0x55: {  	[sflag:s24] =	ssyncadd.s32 $0xFFFFC000  }
0x56: {  	[tilespmem:s3], [sflag:$0x3] =	stream.linear.gather [hbm4b:s9+s3], $0x1400, $0x38;
	[tilespmem:$0x1E800] =	vst v63  }
0x57: {  	_ =	swait.ge [sflag:s14], $0x1400  }
0x58: {  	[sflag:s14] =	ssyncset.done $0x0  }
0x59: {  	[sflag:s14] =	ssyncadd.s32 $0xFFFFEC00  }
0x5a: {  	[tilespmem:s19], [sflag:$0x3] =	stream.linear.gather [hbm4b:s10+s3], $0x1400, $0x38;
	[tilespmem:$0x1E800] =	vst v63  }
0x5b: {  	_ =	swait.ge [sflag:s14], $0x1400  }
0x5c: {  	[sflag:s14] =	ssyncset.done $0x0  }
0x5d: {  	[sflag:s14] =	ssyncadd.s32 $0xFFFFEC00  }
0x5e: {  	[tilespmem:s21], [sflag:$0x1] =	stream.indirect.gather [hbm4b:s4+s20], $0x80, s3, s20, $0xb8;
	[tilespmem:$0x1E800] =	vst v63  }
0x5f: {  	_ =	swait.ge [sflag:s22], $0x4000  }
0x60: {  	[sflag:s22] =	ssyncset.done $0x0  }
0x61: {  	[sflag:s22] =	ssyncadd.s32 $0xFFFFC000  }
0x62: {  	[tilespmem:s23], [sflag:$0x1] =	stream.indirect.gather [hbm4b:s4+s20], $0x80, s20, s20, $0xb8;
	[tilespmem:$0x1E800] =	vst v63  }
0x63: {  	s28 =	simm.s32 $0x1480;
	s29 =	simm.s32 $0x20000;
	s30 =	simm.s32 $0x100  }
0x64: {  	[spmem:s1] =	stream.indirect.scatter.add.f32 [tilespmem:s21], [sflag:$0x2], $0x80, s19, s20, $0xb8;
	[tilespmem:$0x1E800] =	vst v63  }
.LBB2_6:
0x65: {  	_ =	swait.ge [sflag:s22], $0x4000;
	p0 =	sne.s32 s29, $0x280000  }
.Ltmp5:
0x66: {  	[sflag:s22] =	ssyncset.done $0x0;
	(pc) =	sbr.rel @!p0 .LBB2_7-.Ltmp5, $4  }
0x67: {  	s0 =	sadd.s32 $0xFFFF0000, s29;
	[sflag:s22] =	ssyncadd.s32 $0xFFFFC000  }
0x68: {  	s0 =	sand.u32 $0x10000, s0;
	_ =	swait.ge [sflag:s24], $0x4000  }
0x69: {  	s0 =	sshrl.u32 s0, $0x2;
	[sflag:s24] =	ssyncset.done $0x0  }
0x6a: {  	s31 =	sor.u32 $0x2800, s0;
	[sflag:s24] =	ssyncadd.s32 $0xFFFFC000  }
0x6b: {  	s0 =	sand.u32 $0x10000, s29  }
0x6c: {  	s29 =	sadd.s32 $0x10000, s29;
	s0 =	sshrl.u32 s0, $0x2  }
0x6d: {  	p0 =	sne.s32 s29, $0x290000;
	s0 =	sor.u32 $0x2800, s0  }
0x6e: {  	[tilespmem:s0], [sflag:$0x1] =	stream.indirect.gather [hbm4b:s4+s20], $0x80, s30, s20, $0xb8;
	[tilespmem:$0x1E800] =	vst v63  }
.Ltmp6:
0x6f: {  	_ = 	snop;
	(pc) =	sbr.rel @p0 .LBB2_6-.Ltmp6, $4  }
.Ltmp7:
0x70: {  	_ = 	snop;
	(pc) =	sbr.rel @!p0 .LBB2_9-.Ltmp7, $4  }
0x71: {  	_ = 	snop  }
0x72: {  	[spmem:s1] =	stream.indirect.scatter.add.f32 [tilespmem:s31], [sflag:$0x2], $0x80, s28, s20, $0xb8;
	[tilespmem:$0x1E800] =	vst v63  }
0x73: {  	s30 =	sadd.s32 $0x80, s30;
	s28 =	sadd.s32 $0x80, s28  }
0x74: {  	_ = 	snop  }
.LBB2_10:
0x75: {  	_ =	sfence.sel $0x180000  }
0x76: {  	[bflag:$0x0] =	sbarrier.arrive $0xFFFF  }
0x77: {  	_ =	strace $0x9000004A  }
0x78: {  	[bflag:$0x2] =	sbarrier.arrive $0xFFFF  }
0x79: {  	p0 =	sne.s32 s2, $0x0;
	s0 =	rddreg [dreg:$0x3]  }
0x7a: {  	s0 =	sadd.s32 @!p0 $0x100000, s0  }
0x7b: {  	[sflag:s0] =	ssyncadd.tile.s32 @!p0 $0x1;
	_ =	shalt  }
.Lfunc_end2:
_tile_overlayer_lowered:
.L_overlay_start_2:
0x7c: {  	(tag) =	ssettag $0x2  }
0x7d: {  	s0 =	rddreg [dreg:$0x0];
	s2 =	stileid.u32  }
0x7e: {  	s1 =	rddreg [dreg:$0x1];
	p0 =	sne.s32 s2, $0x0  }
0x7f: {  	s3 =	rddreg [dreg:$0x2];
	[bflag:$0x3] =	sbarrier.arrive $0xFFFF;
	s2 =	simm.s32 @!p0 $0x1C03  }
0x80: {  	[timem:s3], [sflag:s2] =	dma.local @!p0 [hbm:s0], s1  }
0x81: {  	s0 =	simm.s32 @!p0 $0x3  }
0x82: {  	_ =	swait.ge @!p0 [sflag:s0], s1  }
0x83: {  	s1 =	ssub.s32 @!p0 $0x0, s1;
	[sflag:s0] =	ssyncset.done @!p0 $0x0  }
0x84: {  	[sflag:s0] =	ssyncadd.s32 @!p0 s1  }
0x85: {  	[bflag:$0x3] =	sbarrier.arrive $0xFFFF  }
0x86: {  	_ =	shalt  }

// kernel: kernel.14.cloned.1.call-start
scs
__scs_entry_jumppad:
0x0: {  	(pc) =	sbr.rel $0x88, $3  }
0x1: {  	(tag) =	ssettag $0x0;
	lr =	simm.s32 $0x1  }
0x2: {  	[smem:$0x3F9B] =	sst lr;
	_ =	strace $0xD0000000  }
0x3: {  	_ = 	snop  }
0x4: {  	_ = 	snop  }
0x5: {  	_ = 	snop  }
0x6: {  	_ = 	snop  }
0x7: {  	_ = 	snop  }
__scs_overlays_trampoline_lowered:
0x8: {  	[smem:$0x3FAA] =	sst s0  }
0x9: {  	[smem:$0x3FAB] =	sst s1  }
0xa: {  	[smem:$0x3FAC] =	sst s2  }
0xb: {  	[smem:$0x3FAD] =	sst s3  }
0xc: {  	[smem:$0x3FAE] =	sst s4  }
0xd: {  	[smem:$0x3FAF] =	sst s5  }
0xe: {  	[smem:$0x3FB0] =	sst s6  }
0xf: {  	[smem:$0x3FB1] =	sst s7  }
0x10: {  	[smem:$0x3FB2] =	sst s8  }
0x11: {  	[smem:$0x3FB3] =	sst s9;
	s0 =	simm.s32 @!p0 $0x0  }
0x12: {  	s1 =	sld [smem:$0x3F99];
	s0 =	simm.s32 @p0 $0x1  }
0x13: {  	[smem:$0x3FB4] =	sst s0;
	s0 =	simm.s32 @!p1 $0x0  }
0x14: {  	s2 =	sld [smem:$0x3F98];
	s0 =	simm.s32 @p1 $0x1  }
0x15: {  	[smem:$0x3FB5] =	sst s0;
	s0 =	simm.s32 @!p2 $0x0  }
0x16: {  	s3 =	sld [smem:$0x3FDB];
	s0 =	simm.s32 @p2 $0x1  }
0x17: {  	s4 =	simm.s32 $0x1BF5;
	[smem:$0x3FB7] =	sst s0  }
0x18: {  	s0 =	sld [smem:$0x3F9A];
	_ =	swait.ge [sflag:s4], $0x0  }
0x19: {  	s7 =	sld [smem:$0x3F9B]  }
0x1a: {  	s8 =	sadd.s32 $0xFFFFE003, lr  }
0x1b: {  	s9 =	sadd.s32 $0xFFFFFEF7, lr;
	s5 =	simm.s32 $0xFFFFFFFF;
	p2 =	slt.u32 s8, $0xFFFFF086  }
0x1c: {  	p1 =	slt.u32 s9, $0xF7A;
	s5 =	simm.s32 @!p2 $0x0  }
0x1d: {  	s5 =	simm.s32 @p1 $0x1;
	p0 =	seq.s32 s7, s2  }
0x1e: {  	s7 =	smul.u32 @!p0 $0xF7A, s2;
	p2 =	seq.s32 @!p0 s5, $0x0  }
0x1f: {  	s9 =	smul.u32 $0xF7A, s1;
	s8 =	simm.s32 @!p0 $0x1BF5;
	p2 =	por !p2, p0  }
0x20: {  	[sflag:s8] =	ssyncset.s32 @!p0 $0xFFFFF086;
	s6 =	sadd.s32 @!p0 s3, s7;
	s7 =	simm.s32 @!p0 $0x108  }
0x21: {  	s3 =	sadd.s32 s3, s9;
	s6 =	sadd.s32 @!p0 $0x88, s6;
	s7 =	simm.s32 @p2 $0x1082  }
0x22: {  	[simem:s7], [sflag:s8] =	dma.local @!p0 [hbm:s6], $0xF7A  }
0x23: {  	s9 =	sor.u32 $0xD0000000, s2;
	s6 =	simm.s32 $0x108;
	_ =	swait.ge @!p0 [sflag:s8], $0x0  }
0x24: {  	s3 =	sadd.s32 $0x88, s3;
	s6 =	simm.s32 @!p1 $0x1082;
	[sflag:s4] =	ssyncset.s32 $0xFFFFF086  }
0x25: {  	[simem:s6], [sflag:s4] =	dma.local [hbm:s3], $0xF7A  }
0x26: {  	[smem:$0x3F9B] =	sst s1;
	(tag) =	ssettag s2;
	_ =	strace s9  }
0x27: {  	s1 =	sld [smem:$0x3FAB]  }
0x28: {  	s2 =	sld [smem:$0x3FAC]  }
0x29: {  	s4 =	sld [smem:$0x3FAE]  }
0x2a: {  	p0 =	seq.s32 s5, $0x0;
	s5 =	sld [smem:$0x3FAF]  }
0x2b: {  	s6 =	sld [smem:$0x3FB0]  }
0x2c: {  	s7 =	sld [smem:$0x3FB1]  }
0x2d: {  	s3 =	simm.s32 $0x108;
	s8 =	sld [smem:$0x3FB2]  }
0x2e: {  	s3 =	simm.s32 @!p0 $0x1082;
	s9 =	sld [smem:$0x3FB3]  }
0x2f: {  	lr =	sadd.s32 s0, s3;
	s0 =	sld [smem:$0x3FAA]  }
0x30: {  	s3 =	sld [smem:$0x3FAD]  }
0x31: {  	[smem:$0x3FB6] =	sst s10  }
0x32: {  	s10 =	sld [smem:$0x3FB4];
	_ =	sdelay $0x3  }
0x33: {  	p0 =	seq.s32 s10, $0x1;
	s10 =	sld [smem:$0x3FB6];
	_ =	sdelay $0x3  }
0x34: {  	[smem:$0x3FB6] =	sst s10  }
0x35: {  	s10 =	sld [smem:$0x3FB5];
	_ =	sdelay $0x3  }
0x36: {  	p1 =	seq.s32 s10, $0x1;
	s10 =	sld [smem:$0x3FB6];
	_ =	sdelay $0x3  }
0x37: {  	[smem:$0x3FB6] =	sst s10  }
0x38: {  	s10 =	sld [smem:$0x3FB7]  }
0x39: {  	_ = 	snop;
	(pc) =	sbr.ind lr, $3  }
0x3a: {  	_ = 	snop  }
0x3b: {  	_ = 	snop  }
0x3c: {  	p2 =	seq.s32 s10, $0x1;
	s10 =	sld [smem:$0x3FB6]  }
0x3d: {  	_ =	shalt  }
0x3e: {  	_ =	shalt  }
0x3f: {  	_ =	shalt  }
0x40: {  	_ =	shalt  }
0x41: {  	_ =	shalt  }
0x42: {  	_ =	shalt  }
0x43: {  	_ =	shalt  }
0x44: {  	_ =	shalt  }
0x45: {  	_ =	shalt  }
0x46: {  	_ =	shalt  }
0x47: {  	_ =	shalt  }
0x48: {  	_ =	shalt  }
0x49: {  	_ =	shalt  }
0x4a: {  	_ =	shalt  }
0x4b: {  	_ =	shalt  }
0x4c: {  	_ =	shalt  }
0x4d: {  	_ =	shalt  }
0x4e: {  	_ =	shalt  }
0x4f: {  	_ =	shalt  }
0x50: {  	_ =	shalt  }
0x51: {  	_ =	shalt  }
0x52: {  	_ =	shalt  }
0x53: {  	_ =	shalt  }
0x54: {  	_ =	shalt  }
0x55: {  	_ =	shalt  }
0x56: {  	_ =	shalt  }
0x57: {  	_ =	shalt  }
0x58: {  	_ =	shalt  }
0x59: {  	_ =	shalt  }
0x5a: {  	_ =	shalt  }
0x5b: {  	_ =	shalt  }
0x5c: {  	_ =	shalt  }
0x5d: {  	_ =	shalt  }
0x5e: {  	_ =	shalt  }
0x5f: {  	_ =	shalt  }
0x60: {  	_ =	shalt  }
0x61: {  	_ =	shalt  }
0x62: {  	_ =	shalt  }
0x63: {  	_ =	shalt  }
0x64: {  	_ =	shalt  }
0x65: {  	_ =	shalt  }
0x66: {  	_ =	shalt  }
0x67: {  	_ =	shalt  }
0x68: {  	_ =	shalt  }
0x69: {  	_ =	shalt  }
0x6a: {  	_ =	shalt  }
0x6b: {  	_ =	shalt  }
0x6c: {  	_ =	shalt  }
0x6d: {  	_ =	shalt  }
0x6e: {  	_ =	shalt  }
0x6f: {  	_ =	shalt  }
0x70: {  	_ =	shalt  }
0x71: {  	_ =	shalt  }
0x72: {  	_ =	shalt  }
0x73: {  	_ =	shalt  }
0x74: {  	_ =	shalt  }
0x75: {  	_ =	shalt  }
0x76: {  	_ =	shalt  }
0x77: {  	_ =	shalt  }
0x78: {  	_ =	shalt  }
0x79: {  	_ =	shalt  }
0x7a: {  	_ =	shalt  }
0x7b: {  	_ =	shalt  }
0x7c: {  	_ =	shalt  }
0x7d: {  	_ =	shalt  }
0x7e: {  	_ =	shalt  }
0x7f: {  	_ =	shalt  }
0x80: {  	_ =	shalt  }
0x81: {  	_ =	shalt  }
0x82: {  	_ =	shalt  }
0x83: {  	_ =	shalt  }
0x84: {  	_ =	shalt  }
0x85: {  	_ =	shalt  }
0x86: {  	_ =	shalt  }
0x87: {  	_ =	shalt  }
.Lfunc_end0:
.L_simem_size_0:
called_computation.2_lowered:
.L_overlay_start_0:
0x88: {  	s2 =	sld [smem:$0x3FD9]  }
0x89: {  	s3 =	sld [smem:$0x3FFE];
	_ =	sdelay $0x1  }
0x8a: {  	s1 =	srdreg.scid  }
0x8b: {  	s0 =	sand.u32 $0x1, s1  }
0x8c: {  	s17 =	sshll.u32 s0, $0xA;
	s2 =	sadd.s32 s3, s2  }
0x8d: {  	s2 =	sadd.s32 s2, s17  }
0x8e: {  	[smem:$0x3FC2] =	sst s2  }
0x8f: {  	_ = 	snop  }
0x90: {  	s2 =	sld [smem:$0x3FD0];
	(tm) =	ssettm $0x1  }
0x91: {  	s18 =	sld [smem:$0x3FFB];
	_ =	sdelay $0x3  }
0x92: {  	_ =	strace s18  }
0x93: {  	s3 =	sld [smem:$0x3FFC];
	_ =	sdelay $0x3  }
0x94: {  	_ =	strace s3  }
0x95: {  	s3 =	sld [smem:$0x3FFD];
	_ =	sdelay $0x3  }
0x96: {  	_ =	strace s3  }
0x97: {  	_ =	strace $0x8FFFFFFF  }
0x98: {  	s19 =	sld [smem:$0x3FDB];
	_ =	sdelay $0x1  }
0x99: {  	s4 =	simm.s32 $_scs_section_size  }
0x9a: {  	s5 =	simm.s32 $_size__tile_overlayer_lowered;
	s6 =	simm.s32 $_tile_overlayer_lowered  }
0x9b: {  	s22 =	simm.s32 $0x1BFF;
	s21 =	sshll.u32 s6, $0x1;
	s3 =	sadd.s32 s4, s19  }
0x9c: {  	s7 =	simm.s32 $0x0;
	s20 =	sshll.u32 s5, $0x1;
	s5 =	sadd.s32 s21, s3  }
0x9d: {  	[timem:s7], [sflag:s22] =	dma.local [hbm:s5], s20  }
0x9e: {  	_ =	swait.ge [sflag:s22], s20  }
0x9f: {  	s4 =	ssub.s32 $0x0, s20;
	[sflag:s22] =	ssyncset.done $0x0  }
0xa0: {  	[sflag:s22] =	ssyncadd.s32 s4;
	_ =	sdelay $0x1  }
0xa1: {  	s23 =	simm.s32 $0x1B8B  }
0xa2: {  	_ =	swait.ge [sflag:s23], $0x1  }
0xa3: {  	[sflag:s23] =	ssyncset.done $0x0  }
0xa4: {  	s25 =	simm.s32 $0x1B8E;
	s24 =	sld [smem:$0x3FFE];
	[sflag:s23] =	ssyncadd.s32 $0xFFFFFFFF  }
0xa5: {  	s26 =	simm.s32 $execute0_lowered;
	[smem:$0x3FD2] =	sst s25  }
0xa6: {  	s5 =	sshll.u32 s26, $0x1;
	_ =	strace $0x8000004C;
	[dreg:$0x1] =	wrdreg $0xFFFFFFFF  }
0xa7: {  	s28 =	simm.s32 $_size_execute0_lowered;
	s3 =	sadd.s32 s3, s5;
	[dreg:$0x0] =	wrdreg $0x0  }
0xa8: {  	s5 =	sshll.u32 s28, $0x1;
	[dreg:$0x2] =	wrdreg s3  }
0xa9: {  	[dreg:$0x3] =	wrdreg s5  }
0xaa: {  	[dreg:$0x4] =	wrdreg $0xC0  }
0xab: {  	_ =	task [dreg:s7], $0x5FFFF  }
0xac: {  	[dreg:$0x1] =	wrdreg $0xFFFFFFFF  }
0xad: {  	[dreg:$0x0] =	wrdreg $0x60  }
0xae: {  	[dreg:$0x2] =	wrdreg s24  }
0xaf: {  	[dreg:$0x3] =	wrdreg s2  }
0xb0: {  	[dreg:$0x4] =	wrdreg $0xA8000  }
0xb1: {  	[dreg:$0x5] =	wrdreg $0x9  }
0xb2: {  	_ =	task.clear_ibuf [dreg:s7], $0x6FFFF;
	_ =	strace $0x9000004C  }
0xb3: {  	s29 =	simm.s32 $0x9;
	_ =	strace $0x8000004E  }
0xb4: {  	_ =	swait.ge [sflag:s29], $0x1  }
0xb5: {  	[sflag:s29] =	ssyncadd.s32 $0xFFFFFFFF  }
0xb6: {  	_ =	strace $0x9000004E  }
0xb7: {  	_ =	sfence  }
0xb8: {  	s30 =	sld [smem:$0x0];
	_ =	sdelay $0x2  }
0xb9: {  	s31 =	sshll.u32 s1, $0xD;
	s1 =	sshrl.u32 s1, $0x2  }
0xba: {  	s3 =	sand.u32 $0x4000, s31;
	s1 =	sadd.s32 s1, s30  }
0xbb: {  	s0 =	sor.u32 s3, s0;
	s1 =	sshll.u32 s1, $0x11  }
0xbc: {  	s0 =	sor.u32 s1, s0  }
0xbd: {  	s0 =	sadd.s32 $0x8F2B, s0  }
0xbe: {  	[sflag:s0] =	ssyncadd.remote.s32 $0x1  }
0xbf: {  	_ =	sfence.sel $0xFFFF  }
0xc0: {  	[dreg:$0x0] =	wrdreg $0xFFFFFFFF;
	(pc) =	sbr.abs _section_cstart, $3  }
0xc1: {  	[dreg:$0x1] =	wrdreg $0xFFFFFFFF  }
0xc2: {  	_ =	task.clear_ibuf [dreg:s7], $0x2FFFF;
	_ =	strace $0x9FFFFFFF  }
0xc3: {  	(tm) =	ssettm $0x7FFFFFFF  }
tec
execute0_lowered:
.L_overlay_start_1:
0x0: {  	(tag) =	ssettag $0x1  }
0x1: {  	s6 =	rddreg [dreg:$0x0]  }
0x2: {  	s9 =	rddreg [dreg:$0x1]  }
0x3: {  	s1 =	rddreg [dreg:$0x2];
	s2 =	srdreg.scid;
	s3 =	simm.s32 $0x0  }
0x4: {  	s20 =	simm.s32 $0x80;
	s21 =	simm.s32 $0x2800;
	s22 =	simm.s32 $0x1  }
0x5: {  	s23 =	simm.s32 $0x6800;
	s7 =	sand.u32 $0x1, s2;
	s2 =	stileid.u32  }
0x6: {  	[smem:$0x7FF] =	sst s3;
	s4 =	sadd.s32 $0xCE00, s6;
	s8 =	smul.u32 $0x140000, s7  }
0x7: {  	s5 =	sadd.s32 $0xC600, s6;
	s11 =	sadd.s32 $0x2600, s6;
	s10 =	smul.u32 $0x14000, s2  }
0x8: {  	_ =	strace $0x8000004D;
	s24 =	ssub.s32 $0x2, s7;
	s13 =	smul.u32 $0x50000, s2  }
0x9: {  	s25 =	sshll.u32 s2, $0x1;
	s28 =	sshll.u32 s2, $0x6;
	s12 =	sshrl.u32 s24, $0x1  }
0xa: {  	s7 =	sor.u32 s7, s25;
	s25 =	simm.s32 $0x2780;
	s8 =	sadd.s32 s10, s8  }
0xb: {  	s12 =	ssub.s32 s24, s12;
	s26 =	sshrl.u32 s13, $0x2;
	s29 =	smul.u32 $0x2800, s7  }
0xc: {  	s30 =	smul.u32 $0x500, s7;
	s24 =	simm.s32 $0x2;
	s8 =	sshrl.u32 s8, $0x3  }
0xd: {  	s13 =	sadd.s32 s26, s1;
	s12 =	smax.u32 s12, $0x1;
	s26 =	simm.s32 $0x0  }
0xe: {  	s14 =	sadd.s32 s8, s6;
	s6 =	sor.u32 $0x1C03, s28;
	s15 =	sadd.s32 $0x4000, s13  }
0xf: {  	s16 =	sadd.s32 $0x8000, s13;
	s17 =	sadd.s32 $0xC000, s13;
	s18 =	sadd.s32 $0x10000, s13  }
.Ltmp0:
0x10: {  	s19 =	sshrl.u32 s29, $0x3;
	s7 =	sadd.s32 s9, s30;
	(pc) =	sbr.rel .LBB2_1-.Ltmp0, $4  }
0x11: {  	s8 =	sadd.s32 s11, s30;
	s13 =	sshrl.u32 s13, $0x3;
	s31 =	sadd.s32 $0x280, s19  }
0x12: {  	s15 =	sshrl.u32 s15, $0x3;
	s16 =	sshrl.u32 s16, $0x3;
	s17 =	sshrl.u32 s17, $0x3  }
0x13: {  	s18 =	sshrl.u32 s18, $0x3;
	s19 =	simm.s32 $0x1400;
	s9 =	sadd.s32 s9, s31  }
0x14: {  	s10 =	sadd.s32 s11, s31;
	s11 =	sadd.s32 $0x34E00, s14;
	s14 =	simm.s32 $0x3  }
.LBB2_7:
0x15: {  	[spmem:s1] =	stream.indirect.scatter.add.f32 [tilespmem:s31], [sflag:$0x2], $0x80, s25, s20, $0xb8;
	[tilespmem:$0x1E800] =	vst v63  }
.LBB2_9:
0x16: {  	_ =	swait.ge [sflag:s24], $0x4000  }
0x17: {  	s26 =	sadd.s32 $0x1, s26;
	[sflag:s24] =	ssyncset.done $0x0  }
0x18: {  	p0 =	sne.s32 s26, s12;
	[sflag:s24] =	ssyncadd.s32 $0xFFFFC000  }
.Ltmp1:
0x19: {  	[bflag:$0x0] =	sbarrier.arrive $0xFFFF;
	(pc) =	sbr.rel @!p0 .LBB2_10-.Ltmp1, $4  }
0x1a: {  	[hbm:s11], [sflag:s6] =	dma.local [spmem:s13], $0x2800  }
0x1b: {  	_ =	swait.ge [sflag:s14], $0x2800  }
0x1c: {  	[sflag:s14] =	ssyncset.done $0x0  }
0x1d: {  	[sflag:s14] =	ssyncadd.s32 $0xFFFFD800  }
.LBB2_1:
0x1e: {  	[spmem:s13], [sflag:s6] =	dma.local [hbm:s5], $0x800  }
0x1f: {  	_ =	swait.ge [sflag:s14], $0x800  }
0x20: {  	[sflag:s14] =	ssyncset.done $0x0  }
0x21: {  	[sflag:s14] =	ssyncadd.s32 $0xFFFFF800  }
0x22: {  	[spmem:s15], [sflag:s6] =	dma.local [hbm:s5], $0x800  }
0x23: {  	_ =	swait.ge [sflag:s14], $0x800  }
0x24: {  	[sflag:s14] =	ssyncset.done $0x0  }
0x25: {  	[sflag:s14] =	ssyncadd.s32 $0xFFFFF800  }
0x26: {  	[spmem:s16], [sflag:s6] =	dma.local [hbm:s5], $0x800  }
0x27: {  	_ =	swait.ge [sflag:s14], $0x800  }
0x28: {  	[sflag:s14] =	ssyncset.done $0x0  }
0x29: {  	[sflag:s14] =	ssyncadd.s32 $0xFFFFF800  }
0x2a: {  	[spmem:s17], [sflag:s6] =	dma.local [hbm:s5], $0x800  }
0x2b: {  	_ =	swait.ge [sflag:s14], $0x800  }
0x2c: {  	[sflag:s14] =	ssyncset.done $0x0  }
0x2d: {  	[sflag:s14] =	ssyncadd.s32 $0xFFFFF800  }
0x2e: {  	[spmem:s18], [sflag:s6] =	dma.local [hbm:s5], $0x800  }
0x2f: {  	_ =	swait.ge [sflag:s14], $0x800  }
0x30: {  	[sflag:s14] =	ssyncset.done $0x0  }
0x31: {  	[sflag:s14] =	ssyncadd.s32 $0xFFFFF800  }
0x32: {  	[bflag:$0x0] =	sbarrier.arrive $0xFFFF  }
0x33: {  	[tilespmem:s3], [sflag:$0x3] =	stream.linear.gather [hbm4b:s7+s3], $0x1400, $0x38;
	[tilespmem:$0x1E800] =	vst v63  }
0x34: {  	_ =	swait.ge [sflag:s14], $0x1400  }
0x35: {  	[sflag:s14] =	ssyncset.done $0x0  }
0x36: {  	[sflag:s14] =	ssyncadd.s32 $0xFFFFEC00  }
0x37: {  	[tilespmem:s19], [sflag:$0x3] =	stream.linear.gather [hbm4b:s8+s3], $0x1400, $0x38;
	[tilespmem:$0x1E800] =	vst v63  }
0x38: {  	_ =	swait.ge [sflag:s14], $0x1400  }
0x39: {  	[sflag:s14] =	ssyncset.done $0x0  }
0x3a: {  	[sflag:s14] =	ssyncadd.s32 $0xFFFFEC00  }
0x3b: {  	[tilespmem:s21], [sflag:$0x1] =	stream.indirect.gather [hbm4b:s4+s20], $0x80, s3, s20, $0xb8;
	[tilespmem:$0x1E800] =	vst v63  }
0x3c: {  	_ =	swait.ge [sflag:s22], $0x4000  }
0x3d: {  	[sflag:s22] =	ssyncset.done $0x0  }
0x3e: {  	[sflag:s22] =	ssyncadd.s32 $0xFFFFC000  }
0x3f: {  	[tilespmem:s23], [sflag:$0x1] =	stream.indirect.gather [hbm4b:s4+s20], $0x80, s20, s20, $0xb8;
	[tilespmem:$0x1E800] =	vst v63  }
0x40: {  	s28 =	simm.s32 $0x1480;
	s29 =	simm.s32 $0x20000;
	s30 =	simm.s32 $0x100  }
0x41: {  	[spmem:s1] =	stream.indirect.scatter.add.f32 [tilespmem:s21], [sflag:$0x2], $0x80, s19, s20, $0xb8;
	[tilespmem:$0x1E800] =	vst v63  }
.LBB2_2:
0x42: {  	_ =	swait.ge [sflag:s22], $0x4000;
	p0 =	sne.s32 s29, $0x280000  }
.Ltmp2:
0x43: {  	[sflag:s22] =	ssyncset.done $0x0;
	(pc) =	sbr.rel @!p0 .LBB2_3-.Ltmp2, $4  }
0x44: {  	s31 =	sadd.s32 $0xFFFF0000, s29;
	[sflag:s22] =	ssyncadd.s32 $0xFFFFC000  }
0x45: {  	s31 =	sand.u32 $0x10000, s31;
	_ =	swait.ge [sflag:s24], $0x4000  }
0x46: {  	s31 =	sshrl.u32 s31, $0x2;
	[sflag:s24] =	ssyncset.done $0x0  }
0x47: {  	s31 =	sor.u32 $0x2800, s31;
	[sflag:s24] =	ssyncadd.s32 $0xFFFFC000  }
0x48: {  	s0 =	sand.u32 $0x10000, s29  }
0x49: {  	s29 =	sadd.s32 $0x10000, s29;
	s0 =	sshrl.u32 s0, $0x2  }
0x4a: {  	p0 =	sne.s32 s29, $0x290000;
	s0 =	sor.u32 $0x2800, s0  }
0x4b: {  	[tilespmem:s0], [sflag:$0x1] =	stream.indirect.gather [hbm4b:s4+s20], $0x80, s30, s20, $0xb8;
	[tilespmem:$0x1E800] =	vst v63  }
.Ltmp3:
0x4c: {  	_ = 	snop;
	(pc) =	sbr.rel @p0 .LBB2_2-.Ltmp3, $4  }
.Ltmp4:
0x4d: {  	_ = 	snop;
	(pc) =	sbr.rel @!p0 .LBB2_5-.Ltmp4, $4  }
0x4e: {  	_ = 	snop  }
0x4f: {  	[spmem:s1] =	stream.indirect.scatter.add.f32 [tilespmem:s31], [sflag:$0x2], $0x80, s28, s20, $0xb8;
	[tilespmem:$0x1E800] =	vst v63  }
0x50: {  	s30 =	sadd.s32 $0x80, s30;
	s28 =	sadd.s32 $0x80, s28  }
0x51: {  	_ = 	snop  }
.LBB2_3:
0x52: {  	[spmem:s1] =	stream.indirect.scatter.add.f32 [tilespmem:s31], [sflag:$0x2], $0x80, s25, s20, $0xb8;
	[tilespmem:$0x1E800] =	vst v63  }
.LBB2_5:
0x53: {  	_ =	swait.ge [sflag:s24], $0x4000  }
0x54: {  	[sflag:s24] =	ssyncset.done $0x0  }
0x55: {  	[sflag:s24] =	ssyncadd.s32 $0xFFFFC000  }
0x56: {  	[tilespmem:s3], [sflag:$0x3] =	stream.linear.gather [hbm4b:s9+s3], $0x1400, $0x38;
	[tilespmem:$0x1E800] =	vst v63  }
0x57: {  	_ =	swait.ge [sflag:s14], $0x1400  }
0x58: {  	[sflag:s14] =	ssyncset.done $0x0  }
0x59: {  	[sflag:s14] =	ssyncadd.s32 $0xFFFFEC00  }
0x5a: {  	[tilespmem:s19], [sflag:$0x3] =	stream.linear.gather [hbm4b:s10+s3], $0x1400, $0x38;
	[tilespmem:$0x1E800] =	vst v63  }
0x5b: {  	_ =	swait.ge [sflag:s14], $0x1400  }
0x5c: {  	[sflag:s14] =	ssyncset.done $0x0  }
0x5d: {  	[sflag:s14] =	ssyncadd.s32 $0xFFFFEC00  }
0x5e: {  	[tilespmem:s21], [sflag:$0x1] =	stream.indirect.gather [hbm4b:s4+s20], $0x80, s3, s20, $0xb8;
	[tilespmem:$0x1E800] =	vst v63  }
0x5f: {  	_ =	swait.ge [sflag:s22], $0x4000  }
0x60: {  	[sflag:s22] =	ssyncset.done $0x0  }
0x61: {  	[sflag:s22] =	ssyncadd.s32 $0xFFFFC000  }
0x62: {  	[tilespmem:s23], [sflag:$0x1] =	stream.indirect.gather [hbm4b:s4+s20], $0x80, s20, s20, $0xb8;
	[tilespmem:$0x1E800] =	vst v63  }
0x63: {  	s28 =	simm.s32 $0x1480;
	s29 =	simm.s32 $0x20000;
	s30 =	simm.s32 $0x100  }
0x64: {  	[spmem:s1] =	stream.indirect.scatter.add.f32 [tilespmem:s21], [sflag:$0x2], $0x80, s19, s20, $0xb8;
	[tilespmem:$0x1E800] =	vst v63  }
.LBB2_6:
0x65: {  	_ =	swait.ge [sflag:s22], $0x4000;
	p0 =	sne.s32 s29, $0x280000  }
.Ltmp5:
0x66: {  	[sflag:s22] =	ssyncset.done $0x0;
	(pc) =	sbr.rel @!p0 .LBB2_7-.Ltmp5, $4  }
0x67: {  	s0 =	sadd.s32 $0xFFFF0000, s29;
	[sflag:s22] =	ssyncadd.s32 $0xFFFFC000  }
0x68: {  	s0 =	sand.u32 $0x10000, s0;
	_ =	swait.ge [sflag:s24], $0x4000  }
0x69: {  	s0 =	sshrl.u32 s0, $0x2;
	[sflag:s24] =	ssyncset.done $0x0  }
0x6a: {  	s31 =	sor.u32 $0x2800, s0;
	[sflag:s24] =	ssyncadd.s32 $0xFFFFC000  }
0x6b: {  	s0 =	sand.u32 $0x10000, s29  }
0x6c: {  	s29 =	sadd.s32 $0x10000, s29;
	s0 =	sshrl.u32 s0, $0x2  }
0x6d: {  	p0 =	sne.s32 s29, $0x290000;
	s0 =	sor.u32 $0x2800, s0  }
0x6e: {  	[tilespmem:s0], [sflag:$0x1] =	stream.indirect.gather [hbm4b:s4+s20], $0x80, s30, s20, $0xb8;
	[tilespmem:$0x1E800] =	vst v63  }
.Ltmp6:
0x6f: {  	_ = 	snop;
	(pc) =	sbr.rel @p0 .LBB2_6-.Ltmp6, $4  }
.Ltmp7:
0x70: {  	_ = 	snop;
	(pc) =	sbr.rel @!p0 .LBB2_9-.Ltmp7, $4  }
0x71: {  	_ = 	snop  }
0x72: {  	[spmem:s1] =	stream.indirect.scatter.add.f32 [tilespmem:s31], [sflag:$0x2], $0x80, s28, s20, $0xb8;
	[tilespmem:$0x1E800] =	vst v63  }
0x73: {  	s30 =	sadd.s32 $0x80, s30;
	s28 =	sadd.s32 $0x80, s28  }
0x74: {  	_ = 	snop  }
.LBB2_10:
0x75: {  	_ =	sfence.sel $0x180000  }
0x76: {  	[bflag:$0x0] =	sbarrier.arrive $0xFFFF  }
0x77: {  	_ =	strace $0x9000004D  }
0x78: {  	[bflag:$0x2] =	sbarrier.arrive $0xFFFF  }
0x79: {  	p0 =	sne.s32 s2, $0x0;
	s0 =	rddreg [dreg:$0x3]  }
0x7a: {  	s0 =	sadd.s32 @!p0 $0x100000, s0  }
0x7b: {  	[sflag:s0] =	ssyncadd.tile.s32 @!p0 $0x1;
	_ =	shalt  }
.Lfunc_end2:
_tile_overlayer_lowered:
.L_overlay_start_2:
0x7c: {  	(tag) =	ssettag $0x2  }
0x7d: {  	s0 =	rddreg [dreg:$0x0];
	s2 =	stileid.u32  }
0x7e: {  	s1 =	rddreg [dreg:$0x1];
	p0 =	sne.s32 s2, $0x0  }
0x7f: {  	s3 =	rddreg [dreg:$0x2];
	[bflag:$0x3] =	sbarrier.arrive $0xFFFF;
	s2 =	simm.s32 @!p0 $0x1C03  }
0x80: {  	[timem:s3], [sflag:s2] =	dma.local @!p0 [hbm:s0], s1  }
0x81: {  	s0 =	simm.s32 @!p0 $0x3  }
0x82: {  	_ =	swait.ge @!p0 [sflag:s0], s1  }
0x83: {  	s1 =	ssub.s32 @!p0 $0x0, s1;
	[sflag:s0] =	ssyncset.done @!p0 $0x0  }
0x84: {  	[sflag:s0] =	ssyncadd.s32 @!p0 s1  }
0x85: {  	[bflag:$0x3] =	sbarrier.arrive $0xFFFF  }
0x86: {  	_ =	shalt  }

// kernel: kernel.8.cloned.1.call-start
scs
__scs_entry_jumppad:
0x0: {  	(pc) =	sbr.rel $0x88, $3  }
0x1: {  	(tag) =	ssettag $0x0;
	lr =	simm.s32 $0x1  }
0x2: {  	[smem:$0x3F9B] =	sst lr;
	_ =	strace $0xD0000000  }
0x3: {  	_ = 	snop  }
0x4: {  	_ = 	snop  }
0x5: {  	_ = 	snop  }
0x6: {  	_ = 	snop  }
0x7: {  	_ = 	snop  }
__scs_overlays_trampoline_lowered:
0x8: {  	[smem:$0x3FAA] =	sst s0  }
0x9: {  	[smem:$0x3FAB] =	sst s1  }
0xa: {  	[smem:$0x3FAC] =	sst s2  }
0xb: {  	[smem:$0x3FAD] =	sst s3  }
0xc: {  	[smem:$0x3FAE] =	sst s4  }
0xd: {  	[smem:$0x3FAF] =	sst s5  }
0xe: {  	[smem:$0x3FB0] =	sst s6  }
0xf: {  	[smem:$0x3FB1] =	sst s7  }
0x10: {  	[smem:$0x3FB2] =	sst s8  }
0x11: {  	[smem:$0x3FB3] =	sst s9;
	s0 =	simm.s32 @!p0 $0x0  }
0x12: {  	s1 =	sld [smem:$0x3F99];
	s0 =	simm.s32 @p0 $0x1  }
0x13: {  	[smem:$0x3FB4] =	sst s0;
	s0 =	simm.s32 @!p1 $0x0  }
0x14: {  	s2 =	sld [smem:$0x3F98];
	s0 =	simm.s32 @p1 $0x1  }
0x15: {  	[smem:$0x3FB5] =	sst s0;
	s0 =	simm.s32 @!p2 $0x0  }
0x16: {  	s3 =	sld [smem:$0x3FDB];
	s0 =	simm.s32 @p2 $0x1  }
0x17: {  	s4 =	simm.s32 $0x1BF5;
	[smem:$0x3FB7] =	sst s0  }
0x18: {  	s0 =	sld [smem:$0x3F9A];
	_ =	swait.ge [sflag:s4], $0x0  }
0x19: {  	s7 =	sld [smem:$0x3F9B]  }
0x1a: {  	s8 =	sadd.s32 $0xFFFFE003, lr  }
0x1b: {  	s9 =	sadd.s32 $0xFFFFFEF7, lr;
	s5 =	simm.s32 $0xFFFFFFFF;
	p2 =	slt.u32 s8, $0xFFFFF086  }
0x1c: {  	p1 =	slt.u32 s9, $0xF7A;
	s5 =	simm.s32 @!p2 $0x0  }
0x1d: {  	s5 =	simm.s32 @p1 $0x1;
	p0 =	seq.s32 s7, s2  }
0x1e: {  	s7 =	smul.u32 @!p0 $0xF7A, s2;
	p2 =	seq.s32 @!p0 s5, $0x0  }
0x1f: {  	s9 =	smul.u32 $0xF7A, s1;
	s8 =	simm.s32 @!p0 $0x1BF5;
	p2 =	por !p2, p0  }
0x20: {  	[sflag:s8] =	ssyncset.s32 @!p0 $0xFFFFF086;
	s6 =	sadd.s32 @!p0 s3, s7;
	s7 =	simm.s32 @!p0 $0x108  }
0x21: {  	s3 =	sadd.s32 s3, s9;
	s6 =	sadd.s32 @!p0 $0x88, s6;
	s7 =	simm.s32 @p2 $0x1082  }
0x22: {  	[simem:s7], [sflag:s8] =	dma.local @!p0 [hbm:s6], $0xF7A  }
0x23: {  	s9 =	sor.u32 $0xD0000000, s2;
	s6 =	simm.s32 $0x108;
	_ =	swait.ge @!p0 [sflag:s8], $0x0  }
0x24: {  	s3 =	sadd.s32 $0x88, s3;
	s6 =	simm.s32 @!p1 $0x1082;
	[sflag:s4] =	ssyncset.s32 $0xFFFFF086  }
0x25: {  	[simem:s6], [sflag:s4] =	dma.local [hbm:s3], $0xF7A  }
0x26: {  	[smem:$0x3F9B] =	sst s1;
	(tag) =	ssettag s2;
	_ =	strace s9  }
0x27: {  	s1 =	sld [smem:$0x3FAB]  }
0x28: {  	s2 =	sld [smem:$0x3FAC]  }
0x29: {  	s4 =	sld [smem:$0x3FAE]  }
0x2a: {  	p0 =	seq.s32 s5, $0x0;
	s5 =	sld [smem:$0x3FAF]  }
0x2b: {  	s6 =	sld [smem:$0x3FB0]  }
0x2c: {  	s7 =	sld [smem:$0x3FB1]  }
0x2d: {  	s3 =	simm.s32 $0x108;
	s8 =	sld [smem:$0x3FB2]  }
0x2e: {  	s3 =	simm.s32 @!p0 $0x1082;
	s9 =	sld [smem:$0x3FB3]  }
0x2f: {  	lr =	sadd.s32 s0, s3;
	s0 =	sld [smem:$0x3FAA]  }
0x30: {  	s3 =	sld [smem:$0x3FAD]  }
0x31: {  	[smem:$0x3FB6] =	sst s10  }
0x32: {  	s10 =	sld [smem:$0x3FB4];
	_ =	sdelay $0x3  }
0x33: {  	p0 =	seq.s32 s10, $0x1;
	s10 =	sld [smem:$0x3FB6];
	_ =	sdelay $0x3  }
0x34: {  	[smem:$0x3FB6] =	sst s10  }
0x35: {  	s10 =	sld [smem:$0x3FB5];
	_ =	sdelay $0x3  }
0x36: {  	p1 =	seq.s32 s10, $0x1;
	s10 =	sld [smem:$0x3FB6];
	_ =	sdelay $0x3  }
0x37: {  	[smem:$0x3FB6] =	sst s10  }
0x38: {  	s10 =	sld [smem:$0x3FB7]  }
0x39: {  	_ = 	snop;
	(pc) =	sbr.ind lr, $3  }
0x3a: {  	_ = 	snop  }
0x3b: {  	_ = 	snop  }
0x3c: {  	p2 =	seq.s32 s10, $0x1;
	s10 =	sld [smem:$0x3FB6]  }
0x3d: {  	_ =	shalt  }
0x3e: {  	_ =	shalt  }
0x3f: {  	_ =	shalt  }
0x40: {  	_ =	shalt  }
0x41: {  	_ =	shalt  }
0x42: {  	_ =	shalt  }
0x43: {  	_ =	shalt  }
0x44: {  	_ =	shalt  }
0x45: {  	_ =	shalt  }
0x46: {  	_ =	shalt  }
0x47: {  	_ =	shalt  }
0x48: {  	_ =	shalt  }
0x49: {  	_ =	shalt  }
0x4a: {  	_ =	shalt  }
0x4b: {  	_ =	shalt  }
0x4c: {  	_ =	shalt  }
0x4d: {  	_ =	shalt  }
0x4e: {  	_ =	shalt  }
0x4f: {  	_ =	shalt  }
0x50: {  	_ =	shalt  }
0x51: {  	_ =	shalt  }
0x52: {  	_ =	shalt  }
0x53: {  	_ =	shalt  }
0x54: {  	_ =	shalt  }
0x55: {  	_ =	shalt  }
0x56: {  	_ =	shalt  }
0x57: {  	_ =	shalt  }
0x58: {  	_ =	shalt  }
0x59: {  	_ =	shalt  }
0x5a: {  	_ =	shalt  }
0x5b: {  	_ =	shalt  }
0x5c: {  	_ =	shalt  }
0x5d: {  	_ =	shalt  }
0x5e: {  	_ =	shalt  }
0x5f: {  	_ =	shalt  }
0x60: {  	_ =	shalt  }
0x61: {  	_ =	shalt  }
0x62: {  	_ =	shalt  }
0x63: {  	_ =	shalt  }
0x64: {  	_ =	shalt  }
0x65: {  	_ =	shalt  }
0x66: {  	_ =	shalt  }
0x67: {  	_ =	shalt  }
0x68: {  	_ =	shalt  }
0x69: {  	_ =	shalt  }
0x6a: {  	_ =	shalt  }
0x6b: {  	_ =	shalt  }
0x6c: {  	_ =	shalt  }
0x6d: {  	_ =	shalt  }
0x6e: {  	_ =	shalt  }
0x6f: {  	_ =	shalt  }
0x70: {  	_ =	shalt  }
0x71: {  	_ =	shalt  }
0x72: {  	_ =	shalt  }
0x73: {  	_ =	shalt  }
0x74: {  	_ =	shalt  }
0x75: {  	_ =	shalt  }
0x76: {  	_ =	shalt  }
0x77: {  	_ =	shalt  }
0x78: {  	_ =	shalt  }
0x79: {  	_ =	shalt  }
0x7a: {  	_ =	shalt  }
0x7b: {  	_ =	shalt  }
0x7c: {  	_ =	shalt  }
0x7d: {  	_ =	shalt  }
0x7e: {  	_ =	shalt  }
0x7f: {  	_ =	shalt  }
0x80: {  	_ =	shalt  }
0x81: {  	_ =	shalt  }
0x82: {  	_ =	shalt  }
0x83: {  	_ =	shalt  }
0x84: {  	_ =	shalt  }
0x85: {  	_ =	shalt  }
0x86: {  	_ =	shalt  }
0x87: {  	_ =	shalt  }
.Lfunc_end0:
.L_simem_size_0:
called_computation_lowered:
.L_overlay_start_0:
0x88: {  	s2 =	sld [smem:$0x3FD9]  }
0x89: {  	s3 =	sld [smem:$0x3FFE];
	_ =	sdelay $0x1  }
0x8a: {  	s1 =	srdreg.scid  }
0x8b: {  	s0 =	sand.u32 $0x1, s1  }
0x8c: {  	s16 =	sshll.u32 s0, $0xA;
	s2 =	sadd.s32 s3, s2  }
0x8d: {  	s2 =	sadd.s32 s2, s16  }
0x8e: {  	[smem:$0x3FC2] =	sst s2  }
0x8f: {  	_ = 	snop  }
0x90: {  	(tm) =	ssettm $0x1  }
0x91: {  	s17 =	sld [smem:$0x3FFB];
	_ =	sdelay $0x3  }
0x92: {  	_ =	strace s17  }
0x93: {  	s2 =	sld [smem:$0x3FFC];
	_ =	sdelay $0x3  }
0x94: {  	_ =	strace s2  }
0x95: {  	s2 =	sld [smem:$0x3FFD];
	_ =	sdelay $0x3  }
0x96: {  	_ =	strace s2  }
0x97: {  	_ =	strace $0x8FFFFFFF  }
0x98: {  	s18 =	sld [smem:$0x3FDB];
	_ =	sdelay $0x1  }
0x99: {  	s19 =	simm.s32 $_scs_section_size  }
0x9a: {  	s4 =	simm.s32 $_size__tile_overlayer_lowered;
	s5 =	simm.s32 $_tile_overlayer_lowered  }
0x9b: {  	s22 =	simm.s32 $0x1BFF;
	s21 =	sshll.u32 s5, $0x1;
	s2 =	sadd.s32 s19, s18  }
0x9c: {  	s6 =	simm.s32 $0x0;
	s20 =	sshll.u32 s4, $0x1;
	s4 =	sadd.s32 s21, s2  }
0x9d: {  	[timem:s6], [sflag:s22] =	dma.local [hbm:s4], s20  }
0x9e: {  	_ =	swait.ge [sflag:s22], s20  }
0x9f: {  	s3 =	ssub.s32 $0x0, s20;
	[sflag:s22] =	ssyncset.done $0x0  }
0xa0: {  	[sflag:s22] =	ssyncadd.s32 s3;
	_ =	sdelay $0x1  }
0xa1: {  	s23 =	simm.s32 $0x1B8B  }
0xa2: {  	_ =	swait.ge [sflag:s23], $0x1  }
0xa3: {  	[sflag:s23] =	ssyncset.done $0x0  }
0xa4: {  	s25 =	simm.s32 $0x1B8E;
	s24 =	sld [smem:$0x3FFE];
	[sflag:s23] =	ssyncadd.s32 $0xFFFFFFFF  }
0xa5: {  	s26 =	simm.s32 $execute0_lowered;
	[smem:$0x3FD2] =	sst s25  }
0xa6: {  	s4 =	sshll.u32 s26, $0x1;
	_ =	strace $0x80000046;
	[dreg:$0x1] =	wrdreg $0xFFFFFFFF  }
0xa7: {  	s28 =	simm.s32 $_size_execute0_lowered;
	s2 =	sadd.s32 s2, s4;
	[dreg:$0x0] =	wrdreg $0x0  }
0xa8: {  	s4 =	sshll.u32 s28, $0x1;
	[dreg:$0x2] =	wrdreg s2  }
0xa9: {  	[dreg:$0x3] =	wrdreg s4  }
0xaa: {  	[dreg:$0x4] =	wrdreg $0xC0  }
0xab: {  	_ =	task [dreg:s6], $0x5FFFF  }
0xac: {  	[dreg:$0x1] =	wrdreg $0xFFFFFFFF  }
0xad: {  	[dreg:$0x0] =	wrdreg $0x60  }
0xae: {  	[dreg:$0x2] =	wrdreg s24  }
0xaf: {  	[dreg:$0x3] =	wrdreg $0x54000  }
0xb0: {  	[dreg:$0x4] =	wrdreg $0x9  }
0xb1: {  	_ =	task.clear_ibuf [dreg:s6], $0x5FFFF;
	_ =	strace $0x90000046  }
0xb2: {  	s29 =	simm.s32 $0x9;
	_ =	strace $0x80000048  }
0xb3: {  	_ =	swait.ge [sflag:s29], $0x1  }
0xb4: {  	[sflag:s29] =	ssyncadd.s32 $0xFFFFFFFF  }
0xb5: {  	_ =	strace $0x90000048  }
0xb6: {  	_ =	sfence  }
0xb7: {  	s30 =	sld [smem:$0x0];
	_ =	sdelay $0x2  }
0xb8: {  	s31 =	sshll.u32 s1, $0xD;
	s1 =	sshrl.u32 s1, $0x2  }
0xb9: {  	s3 =	sand.u32 $0x4000, s31;
	s1 =	sadd.s32 s1, s30  }
0xba: {  	s0 =	sor.u32 s3, s0;
	s1 =	sshll.u32 s1, $0x11  }
0xbb: {  	s0 =	sor.u32 s1, s0  }
0xbc: {  	s0 =	sadd.s32 $0x8F2B, s0  }
0xbd: {  	[sflag:s0] =	ssyncadd.remote.s32 $0x1  }
0xbe: {  	_ =	sfence.sel $0xFFFF  }
0xbf: {  	[dreg:$0x0] =	wrdreg $0xFFFFFFFF;
	(pc) =	sbr.abs _section_cstart, $3  }
0xc0: {  	[dreg:$0x1] =	wrdreg $0xFFFFFFFF  }
0xc1: {  	_ =	task.clear_ibuf [dreg:s6], $0x2FFFF;
	_ =	strace $0x9FFFFFFF  }
0xc2: {  	(tm) =	ssettm $0x7FFFFFFF  }
0xc3: {  	_ =	shalt  }
tec
execute0_lowered:
.L_overlay_start_1:
0x0: {  	(tag) =	ssettag $0x1  }
0x1: {  	s0 =	rddreg [dreg:$0x0]  }
0x2: {  	s1 =	rddreg [dreg:$0x1]  }
0x3: {  	s2 =	srdreg.scid;
	s3 =	simm.s32 $0x0;
	s10 =	stileid.u32  }
0x4: {  	s12 =	simm.s32 $0x2;
	s28 =	simm.s32 $0x1080;
	s29 =	simm.s32 $0x1100  }
0x5: {  	s30 =	simm.s32 $0x1180;
	s31 =	simm.s32 $0x1200;
	s2 =	sand.u32 $0x1, s2  }
0x6: {  	[smem:$0x7FF] =	sst s3;
	s6 =	smul.u32 $0x14000, s10;
	s7 =	sadd.s32 $0x2600, s0  }
0x7: {  	s4 =	sadd.s32 $0xC600, s0;
	s8 =	sadd.s32 $0xCE00, s0;
	s16 =	smul.u32 $0x50000, s10  }
0x8: {  	s9 =	sshll.u32 s10, $0x1;
	s19 =	sshll.u32 s10, $0x6;
	s10 =	simm.s32 $0xA00  }
0x9: {  	s5 =	smul.u32 $0x140000, s2;
	s15 =	ssub.s32 $0x2, s2;
	s2 =	sor.u32 s2, s9  }
0xa: {  	_ =	strace $0x80000047;
	[dreg:$0x3] =	wrdreg s8;
	s9 =	smul.u32 $0x2800, s2  }
0xb: {  	s17 =	sshrl.u32 s15, $0x1;
	s18 =	sshrl.u32 s16, $0x2;
	s2 =	smul.u32 $0x500, s2  }
0xc: {  	s16 =	simm.s32 $0xC80;
	s5 =	sadd.s32 s6, s5;
	s8 =	sadd.s32 s18, s1  }
0xd: {  	s6 =	sor.u32 $0x1C02, s19;
	s18 =	simm.s32 $0x80;
	s19 =	simm.s32 $0xC00  }
0xe: {  	s5 =	sshrl.u32 s5, $0x3;
	s20 =	sadd.s32 $0x4000, s8;
	s13 =	sadd.s32 $0x8000, s8  }
0xf: {  	s14 =	sadd.s32 $0xC000, s8;
	s9 =	sshrl.u32 s9, $0x3;
	s2 =	sadd.s32 s7, s2  }
0x10: {  	s11 =	sshrl.u32 s8, $0x3;
	s0 =	sadd.s32 s5, s0;
	s5 =	ssub.s32 s15, s17  }
0x11: {  	s15 =	sadd.s32 $0x10000, s8;
	[dreg:$0x4] =	wrdreg s2;
	s21 =	sadd.s32 s7, s9  }
0x12: {  	s23 =	sshrl.u32 s20, $0x3;
	s24 =	sshrl.u32 s13, $0x3;
	s25 =	sshrl.u32 s14, $0x3  }
0x13: {  	s17 =	simm.s32 $0x1400;
	s13 =	simm.s32 $0xA80;
	s14 =	simm.s32 $0xB00  }
0x14: {  	s20 =	simm.s32 $0xD00;
	s7 =	simm.s32 $0x1;
	[dreg:$0x8] =	wrdreg s23  }
0x15: {  	s8 =	simm.s32 $0x0;
	s2 =	sadd.s32 $0x280, s21;
	[dreg:$0x9] =	wrdreg s24  }
0x16: {  	s0 =	sadd.s32 $0xD600, s0;
	s22 =	smax.u32 s5, $0x1;
	[dreg:$0xa] =	wrdreg s25  }
0x17: {  	s26 =	sshrl.u32 s15, $0x3;
	s15 =	simm.s32 $0xB80;
	[dreg:$0x5] =	wrdreg s2  }
0x18: {  	s21 =	simm.s32 $0xD80;
	s23 =	simm.s32 $0xE80;
	[dreg:$0x6] =	wrdreg s0  }
0x19: {  	s24 =	simm.s32 $0xF00;
	s25 =	simm.s32 $0xF80;
	[dreg:$0x7] =	wrdreg s22  }
0x1a: {  	s5 =	simm.s32 $0x1380;
	[dreg:$0xb] =	wrdreg s26;
	s22 =	simm.s32 $0xE00  }
0x1b: {  	s26 =	simm.s32 $0x1000;
	s0 =	simm.s32 $0x1280;
	s2 =	simm.s32 $0x1300  }
.LBB2_1:
0x1c: {  	[spmem:s11], [sflag:s6] =	dma.local [hbm:s4], $0x800  }
0x1d: {  	_ =	swait.ge [sflag:s12], $0x800  }
0x1e: {  	[sflag:s12] =	ssyncset.done $0x0  }
0x1f: {  	s9 =	rddreg [dreg:$0x8];
	[sflag:s12] =	ssyncadd.s32 $0xFFFFF800  }
0x20: {  	[spmem:s9], [sflag:s6] =	dma.local [hbm:s4], $0x800  }
0x21: {  	_ =	swait.ge [sflag:s12], $0x800  }
0x22: {  	[sflag:s12] =	ssyncset.done $0x0  }
0x23: {  	s9 =	rddreg [dreg:$0x9];
	[sflag:s12] =	ssyncadd.s32 $0xFFFFF800  }
0x24: {  	[spmem:s9], [sflag:s6] =	dma.local [hbm:s4], $0x800  }
0x25: {  	_ =	swait.ge [sflag:s12], $0x800  }
0x26: {  	[sflag:s12] =	ssyncset.done $0x0  }
0x27: {  	s9 =	rddreg [dreg:$0xa];
	[sflag:s12] =	ssyncadd.s32 $0xFFFFF800  }
0x28: {  	[spmem:s9], [sflag:s6] =	dma.local [hbm:s4], $0x800  }
0x29: {  	_ =	swait.ge [sflag:s12], $0x800  }
0x2a: {  	[sflag:s12] =	ssyncset.done $0x0  }
0x2b: {  	s9 =	rddreg [dreg:$0xb];
	[sflag:s12] =	ssyncadd.s32 $0xFFFFF800  }
0x2c: {  	[spmem:s9], [sflag:s6] =	dma.local [hbm:s4], $0x800  }
0x2d: {  	_ =	swait.ge [sflag:s12], $0x800  }
0x2e: {  	[sflag:s12] =	ssyncset.done $0x0  }
0x2f: {  	s9 =	rddreg [dreg:$0x3];
	[sflag:s12] =	ssyncadd.s32 $0xFFFFF800  }
0x30: {  	[tilespmem:s17], [sflag:$0x2] =	stream.linear.gather [hbm4b:s9+s3], $0x4000, $0x38;
	[tilespmem:$0x19400] =	vst v63  }
0x31: {  	_ =	swait.ge [sflag:s12], $0x4000  }
0x32: {  	[sflag:s12] =	ssyncset.done $0x0  }
0x33: {  	[sflag:s12] =	ssyncadd.s32 $0xFFFFC000  }
0x34: {  	[bflag:$0x0] =	sbarrier.arrive $0xFFFF  }
0x35: {  	s9 =	rddreg [dreg:$0x4]  }
0x36: {  	[tilespmem:s3], [sflag:$0x2] =	stream.linear.gather [hbm4b:s9+s3], $0x1400, $0x38;
	[tilespmem:$0x19400] =	vst v63  }
0x37: {  	_ =	swait.ge [sflag:s12], $0x1400  }
0x38: {  	[sflag:s12] =	ssyncset.done $0x0  }
0x39: {  	[sflag:s12] =	ssyncadd.s32 $0xFFFFEC00  }
0x3a: {  	[spmem:s1] =	stream.indirect.scatter.add.f32 [tilespmem:s17], [sflag:$0x1], $0x80, s3, s18, $0xb8;
	[tilespmem:$0x19400] =	vst v63  }
0x3b: {  	_ = 	snop  }
0x3c: {  	[spmem:s1] =	stream.indirect.scatter.add.f32 [tilespmem:s17], [sflag:$0x1], $0x80, s18, s18, $0xb8;
	[tilespmem:$0x19400] =	vst v63  }
0x3d: {  	s9 =	simm.s32 $0x100  }
0x3e: {  	[spmem:s1] =	stream.indirect.scatter.add.f32 [tilespmem:s17], [sflag:$0x1], $0x80, s9, s18, $0xb8;
	[tilespmem:$0x19400] =	vst v63  }
0x3f: {  	s9 =	simm.s32 $0x180  }
0x40: {  	[spmem:s1] =	stream.indirect.scatter.add.f32 [tilespmem:s17], [sflag:$0x1], $0x80, s9, s18, $0xb8;
	[tilespmem:$0x19400] =	vst v63  }
0x41: {  	s9 =	simm.s32 $0x200  }
0x42: {  	[spmem:s1] =	stream.indirect.scatter.add.f32 [tilespmem:s17], [sflag:$0x1], $0x80, s9, s18, $0xb8;
	[tilespmem:$0x19400] =	vst v63  }
0x43: {  	s9 =	simm.s32 $0x280  }
0x44: {  	[spmem:s1] =	stream.indirect.scatter.add.f32 [tilespmem:s17], [sflag:$0x1], $0x80, s9, s18, $0xb8;
	[tilespmem:$0x19400] =	vst v63  }
0x45: {  	s9 =	simm.s32 $0x300  }
0x46: {  	[spmem:s1] =	stream.indirect.scatter.add.f32 [tilespmem:s17], [sflag:$0x1], $0x80, s9, s18, $0xb8;
	[tilespmem:$0x19400] =	vst v63  }
0x47: {  	s9 =	simm.s32 $0x380  }
0x48: {  	[spmem:s1] =	stream.indirect.scatter.add.f32 [tilespmem:s17], [sflag:$0x1], $0x80, s9, s18, $0xb8;
	[tilespmem:$0x19400] =	vst v63  }
0x49: {  	s9 =	simm.s32 $0x400  }
0x4a: {  	[spmem:s1] =	stream.indirect.scatter.add.f32 [tilespmem:s17], [sflag:$0x1], $0x80, s9, s18, $0xb8;
	[tilespmem:$0x19400] =	vst v63  }
0x4b: {  	s9 =	simm.s32 $0x480  }
0x4c: {  	[spmem:s1] =	stream.indirect.scatter.add.f32 [tilespmem:s17], [sflag:$0x1], $0x80, s9, s18, $0xb8;
	[tilespmem:$0x19400] =	vst v63  }
0x4d: {  	s9 =	simm.s32 $0x500  }
0x4e: {  	[spmem:s1] =	stream.indirect.scatter.add.f32 [tilespmem:s17], [sflag:$0x1], $0x80, s9, s18, $0xb8;
	[tilespmem:$0x19400] =	vst v63  }
0x4f: {  	s9 =	simm.s32 $0x580  }
0x50: {  	[spmem:s1] =	stream.indirect.scatter.add.f32 [tilespmem:s17], [sflag:$0x1], $0x80, s9, s18, $0xb8;
	[tilespmem:$0x19400] =	vst v63  }
0x51: {  	s9 =	simm.s32 $0x600  }
0x52: {  	[spmem:s1] =	stream.indirect.scatter.add.f32 [tilespmem:s17], [sflag:$0x1], $0x80, s9, s18, $0xb8;
	[tilespmem:$0x19400] =	vst v63  }
0x53: {  	s9 =	simm.s32 $0x680  }
0x54: {  	[spmem:s1] =	stream.indirect.scatter.add.f32 [tilespmem:s17], [sflag:$0x1], $0x80, s9, s18, $0xb8;
	[tilespmem:$0x19400] =	vst v63  }
0x55: {  	s9 =	simm.s32 $0x700  }
0x56: {  	[spmem:s1] =	stream.indirect.scatter.add.f32 [tilespmem:s17], [sflag:$0x1], $0x80, s9, s18, $0xb8;
	[tilespmem:$0x19400] =	vst v63  }
0x57: {  	s9 =	simm.s32 $0x780  }
0x58: {  	[spmem:s1] =	stream.indirect.scatter.add.f32 [tilespmem:s17], [sflag:$0x1], $0x80, s9, s18, $0xb8;
	[tilespmem:$0x19400] =	vst v63  }
0x59: {  	s9 =	simm.s32 $0x800  }
0x5a: {  	[spmem:s1] =	stream.indirect.scatter.add.f32 [tilespmem:s17], [sflag:$0x1], $0x80, s9, s18, $0xb8;
	[tilespmem:$0x19400] =	vst v63  }
0x5b: {  	s9 =	simm.s32 $0x880  }
0x5c: {  	[spmem:s1] =	stream.indirect.scatter.add.f32 [tilespmem:s17], [sflag:$0x1], $0x80, s9, s18, $0xb8;
	[tilespmem:$0x19400] =	vst v63  }
0x5d: {  	s9 =	simm.s32 $0x900  }
0x5e: {  	[spmem:s1] =	stream.indirect.scatter.add.f32 [tilespmem:s17], [sflag:$0x1], $0x80, s9, s18, $0xb8;
	[tilespmem:$0x19400] =	vst v63  }
0x5f: {  	s9 =	simm.s32 $0x980  }
0x60: {  	[spmem:s1] =	stream.indirect.scatter.add.f32 [tilespmem:s17], [sflag:$0x1], $0x80, s9, s18, $0xb8;
	[tilespmem:$0x19400] =	vst v63  }
0x61: {  	_ = 	snop  }
0x62: {  	[spmem:s1] =	stream.indirect.scatter.add.f32 [tilespmem:s17], [sflag:$0x1], $0x80, s10, s18, $0xb8;
	[tilespmem:$0x19400] =	vst v63  }
0x63: {  	_ = 	snop  }
0x64: {  	[spmem:s1] =	stream.indirect.scatter.add.f32 [tilespmem:s17], [sflag:$0x1], $0x80, s13, s18, $0xb8;
	[tilespmem:$0x19400] =	vst v63  }
0x65: {  	_ = 	snop  }
0x66: {  	[spmem:s1] =	stream.indirect.scatter.add.f32 [tilespmem:s17], [sflag:$0x1], $0x80, s14, s18, $0xb8;
	[tilespmem:$0x19400] =	vst v63  }
0x67: {  	_ = 	snop  }
0x68: {  	[spmem:s1] =	stream.indirect.scatter.add.f32 [tilespmem:s17], [sflag:$0x1], $0x80, s15, s18, $0xb8;
	[tilespmem:$0x19400] =	vst v63  }
0x69: {  	_ = 	snop  }
0x6a: {  	[spmem:s1] =	stream.indirect.scatter.add.f32 [tilespmem:s17], [sflag:$0x1], $0x80, s19, s18, $0xb8;
	[tilespmem:$0x19400] =	vst v63  }
0x6b: {  	_ = 	snop  }
0x6c: {  	[spmem:s1] =	stream.indirect.scatter.add.f32 [tilespmem:s17], [sflag:$0x1], $0x80, s16, s18, $0xb8;
	[tilespmem:$0x19400] =	vst v63  }
0x6d: {  	_ = 	snop  }
0x6e: {  	[spmem:s1] =	stream.indirect.scatter.add.f32 [tilespmem:s17], [sflag:$0x1], $0x80, s20, s18, $0xb8;
	[tilespmem:$0x19400] =	vst v63  }
0x6f: {  	_ = 	snop  }
0x70: {  	[spmem:s1] =	stream.indirect.scatter.add.f32 [tilespmem:s17], [sflag:$0x1], $0x80, s21, s18, $0xb8;
	[tilespmem:$0x19400] =	vst v63  }
0x71: {  	_ = 	snop  }
0x72: {  	[spmem:s1] =	stream.indirect.scatter.add.f32 [tilespmem:s17], [sflag:$0x1], $0x80, s22, s18, $0xb8;
	[tilespmem:$0x19400] =	vst v63  }
0x73: {  	_ = 	snop  }
0x74: {  	[spmem:s1] =	stream.indirect.scatter.add.f32 [tilespmem:s17], [sflag:$0x1], $0x80, s23, s18, $0xb8;
	[tilespmem:$0x19400] =	vst v63  }
0x75: {  	_ = 	snop  }
0x76: {  	[spmem:s1] =	stream.indirect.scatter.add.f32 [tilespmem:s17], [sflag:$0x1], $0x80, s24, s18, $0xb8;
	[tilespmem:$0x19400] =	vst v63  }
0x77: {  	_ = 	snop  }
0x78: {  	[spmem:s1] =	stream.indirect.scatter.add.f32 [tilespmem:s17], [sflag:$0x1], $0x80, s25, s18, $0xb8;
	[tilespmem:$0x19400] =	vst v63  }
0x79: {  	_ = 	snop  }
0x7a: {  	[spmem:s1] =	stream.indirect.scatter.add.f32 [tilespmem:s17], [sflag:$0x1], $0x80, s26, s18, $0xb8;
	[tilespmem:$0x19400] =	vst v63  }
0x7b: {  	_ = 	snop  }
0x7c: {  	[spmem:s1] =	stream.indirect.scatter.add.f32 [tilespmem:s17], [sflag:$0x1], $0x80, s28, s18, $0xb8;
	[tilespmem:$0x19400] =	vst v63  }
0x7d: {  	_ = 	snop  }
0x7e: {  	[spmem:s1] =	stream.indirect.scatter.add.f32 [tilespmem:s17], [sflag:$0x1], $0x80, s29, s18, $0xb8;
	[tilespmem:$0x19400] =	vst v63  }
0x7f: {  	_ = 	snop  }
0x80: {  	[spmem:s1] =	stream.indirect.scatter.add.f32 [tilespmem:s17], [sflag:$0x1], $0x80, s30, s18, $0xb8;
	[tilespmem:$0x19400] =	vst v63  }
0x81: {  	_ = 	snop  }
0x82: {  	[spmem:s1] =	stream.indirect.scatter.add.f32 [tilespmem:s17], [sflag:$0x1], $0x80, s31, s18, $0xb8;
	[tilespmem:$0x19400] =	vst v63  }
0x83: {  	_ = 	snop  }
0x84: {  	[spmem:s1] =	stream.indirect.scatter.add.f32 [tilespmem:s17], [sflag:$0x1], $0x80, s0, s18, $0xb8;
	[tilespmem:$0x19400] =	vst v63  }
0x85: {  	_ = 	snop  }
0x86: {  	[spmem:s1] =	stream.indirect.scatter.add.f32 [tilespmem:s17], [sflag:$0x1], $0x80, s2, s18, $0xb8;
	[tilespmem:$0x19400] =	vst v63  }
0x87: {  	_ = 	snop  }
0x88: {  	[spmem:s1] =	stream.indirect.scatter.add.f32 [tilespmem:s17], [sflag:$0x1], $0x80, s5, s18, $0xb8;
	[tilespmem:$0x19400] =	vst v63  }
0x89: {  	_ =	swait.ge [sflag:s7], $0x4000  }
0x8a: {  	s9 =	simm.s32 $0x27;
	[sflag:s7] =	ssyncset.done $0x0  }
.LBB2_2:
0x8b: {  	p0 =	sne.s32 s9, $0x1;
	s9 =	sadd.s32 $0xFFFFFFFF, s9;
	[sflag:s7] =	ssyncadd.s32 $0xFFFFC000  }
.Ltmp0:
0x8c: {  	(pc) =	sbr.rel @p0 .LBB2_2-.Ltmp0, $3  }
0x8d: {  	_ =	sdelay $0x1  }
0x8e: {  	_ =	swait.ge [sflag:s7], $0x4000  }
0x8f: {  	[sflag:s7] =	ssyncset.done $0x0  }
0x90: {  	[sflag:s7] =	ssyncadd.s32 $0xFFFFC000;
	s9 =	rddreg [dreg:$0x5]  }
0x91: {  	[tilespmem:s3], [sflag:$0x2] =	stream.linear.gather [hbm4b:s9+s3], $0x1400, $0x38;
	[tilespmem:$0x19400] =	vst v63  }
0x92: {  	_ =	swait.ge [sflag:s12], $0x1400  }
0x93: {  	[sflag:s12] =	ssyncset.done $0x0  }
0x94: {  	[sflag:s12] =	ssyncadd.s32 $0xFFFFEC00  }
0x95: {  	[spmem:s1] =	stream.indirect.scatter.add.f32 [tilespmem:s17], [sflag:$0x1], $0x80, s3, s18, $0xb8;
	[tilespmem:$0x19400] =	vst v63  }
0x96: {  	_ = 	snop  }
0x97: {  	[spmem:s1] =	stream.indirect.scatter.add.f32 [tilespmem:s17], [sflag:$0x1], $0x80, s18, s18, $0xb8;
	[tilespmem:$0x19400] =	vst v63  }
0x98: {  	s9 =	simm.s32 $0x100  }
0x99: {  	[spmem:s1] =	stream.indirect.scatter.add.f32 [tilespmem:s17], [sflag:$0x1], $0x80, s9, s18, $0xb8;
	[tilespmem:$0x19400] =	vst v63  }
0x9a: {  	s9 =	simm.s32 $0x180  }
0x9b: {  	[spmem:s1] =	stream.indirect.scatter.add.f32 [tilespmem:s17], [sflag:$0x1], $0x80, s9, s18, $0xb8;
	[tilespmem:$0x19400] =	vst v63  }
0x9c: {  	s9 =	simm.s32 $0x200  }
0x9d: {  	[spmem:s1] =	stream.indirect.scatter.add.f32 [tilespmem:s17], [sflag:$0x1], $0x80, s9, s18, $0xb8;
	[tilespmem:$0x19400] =	vst v63  }
0x9e: {  	s9 =	simm.s32 $0x280  }
0x9f: {  	[spmem:s1] =	stream.indirect.scatter.add.f32 [tilespmem:s17], [sflag:$0x1], $0x80, s9, s18, $0xb8;
	[tilespmem:$0x19400] =	vst v63  }
0xa0: {  	s9 =	simm.s32 $0x300  }
0xa1: {  	[spmem:s1] =	stream.indirect.scatter.add.f32 [tilespmem:s17], [sflag:$0x1], $0x80, s9, s18, $0xb8;
	[tilespmem:$0x19400] =	vst v63  }
0xa2: {  	s9 =	simm.s32 $0x380  }
0xa3: {  	[spmem:s1] =	stream.indirect.scatter.add.f32 [tilespmem:s17], [sflag:$0x1], $0x80, s9, s18, $0xb8;
	[tilespmem:$0x19400] =	vst v63  }
0xa4: {  	s9 =	simm.s32 $0x400  }
0xa5: {  	[spmem:s1] =	stream.indirect.scatter.add.f32 [tilespmem:s17], [sflag:$0x1], $0x80, s9, s18, $0xb8;
	[tilespmem:$0x19400] =	vst v63  }
0xa6: {  	s9 =	simm.s32 $0x480  }
0xa7: {  	[spmem:s1] =	stream.indirect.scatter.add.f32 [tilespmem:s17], [sflag:$0x1], $0x80, s9, s18, $0xb8;
	[tilespmem:$0x19400] =	vst v63  }
0xa8: {  	s9 =	simm.s32 $0x500  }
0xa9: {  	[spmem:s1] =	stream.indirect.scatter.add.f32 [tilespmem:s17], [sflag:$0x1], $0x80, s9, s18, $0xb8;
	[tilespmem:$0x19400] =	vst v63  }
0xaa: {  	s9 =	simm.s32 $0x580  }
0xab: {  	[spmem:s1] =	stream.indirect.scatter.add.f32 [tilespmem:s17], [sflag:$0x1], $0x80, s9, s18, $0xb8;
	[tilespmem:$0x19400] =	vst v63  }
0xac: {  	s9 =	simm.s32 $0x600  }
0xad: {  	[spmem:s1] =	stream.indirect.scatter.add.f32 [tilespmem:s17], [sflag:$0x1], $0x80, s9, s18, $0xb8;
	[tilespmem:$0x19400] =	vst v63  }
0xae: {  	s9 =	simm.s32 $0x680  }
0xaf: {  	[spmem:s1] =	stream.indirect.scatter.add.f32 [tilespmem:s17], [sflag:$0x1], $0x80, s9, s18, $0xb8;
	[tilespmem:$0x19400] =	vst v63  }
0xb0: {  	s9 =	simm.s32 $0x700  }
0xb1: {  	[spmem:s1] =	stream.indirect.scatter.add.f32 [tilespmem:s17], [sflag:$0x1], $0x80, s9, s18, $0xb8;
	[tilespmem:$0x19400] =	vst v63  }
0xb2: {  	s9 =	simm.s32 $0x780  }
0xb3: {  	[spmem:s1] =	stream.indirect.scatter.add.f32 [tilespmem:s17], [sflag:$0x1], $0x80, s9, s18, $0xb8;
	[tilespmem:$0x19400] =	vst v63  }
0xb4: {  	s9 =	simm.s32 $0x800  }
0xb5: {  	[spmem:s1] =	stream.indirect.scatter.add.f32 [tilespmem:s17], [sflag:$0x1], $0x80, s9, s18, $0xb8;
	[tilespmem:$0x19400] =	vst v63  }
0xb6: {  	s9 =	simm.s32 $0x880  }
0xb7: {  	[spmem:s1] =	stream.indirect.scatter.add.f32 [tilespmem:s17], [sflag:$0x1], $0x80, s9, s18, $0xb8;
	[tilespmem:$0x19400] =	vst v63  }
0xb8: {  	s9 =	simm.s32 $0x900  }
0xb9: {  	[spmem:s1] =	stream.indirect.scatter.add.f32 [tilespmem:s17], [sflag:$0x1], $0x80, s9, s18, $0xb8;
	[tilespmem:$0x19400] =	vst v63  }
0xba: {  	s9 =	simm.s32 $0x980  }
0xbb: {  	[spmem:s1] =	stream.indirect.scatter.add.f32 [tilespmem:s17], [sflag:$0x1], $0x80, s9, s18, $0xb8;
	[tilespmem:$0x19400] =	vst v63  }
0xbc: {  	_ = 	snop  }
0xbd: {  	[spmem:s1] =	stream.indirect.scatter.add.f32 [tilespmem:s17], [sflag:$0x1], $0x80, s10, s18, $0xb8;
	[tilespmem:$0x19400] =	vst v63  }
0xbe: {  	_ = 	snop  }
0xbf: {  	[spmem:s1] =	stream.indirect.scatter.add.f32 [tilespmem:s17], [sflag:$0x1], $0x80, s13, s18, $0xb8;
	[tilespmem:$0x19400] =	vst v63  }
0xc0: {  	_ = 	snop  }
0xc1: {  	[spmem:s1] =	stream.indirect.scatter.add.f32 [tilespmem:s17], [sflag:$0x1], $0x80, s14, s18, $0xb8;
	[tilespmem:$0x19400] =	vst v63  }
0xc2: {  	_ = 	snop  }
0xc3: {  	[spmem:s1] =	stream.indirect.scatter.add.f32 [tilespmem:s17], [sflag:$0x1], $0x80, s15, s18, $0xb8;
	[tilespmem:$0x19400] =	vst v63  }
0xc4: {  	_ = 	snop  }
0xc5: {  	[spmem:s1] =	stream.indirect.scatter.add.f32 [tilespmem:s17], [sflag:$0x1], $0x80, s19, s18, $0xb8;
	[tilespmem:$0x19400] =	vst v63  }
0xc6: {  	_ = 	snop  }
0xc7: {  	[spmem:s1] =	stream.indirect.scatter.add.f32 [tilespmem:s17], [sflag:$0x1], $0x80, s16, s18, $0xb8;
	[tilespmem:$0x19400] =	vst v63  }
0xc8: {  	_ = 	snop  }
0xc9: {  	[spmem:s1] =	stream.indirect.scatter.add.f32 [tilespmem:s17], [sflag:$0x1], $0x80, s20, s18, $0xb8;
	[tilespmem:$0x19400] =	vst v63  }
0xca: {  	_ = 	snop  }
0xcb: {  	[spmem:s1] =	stream.indirect.scatter.add.f32 [tilespmem:s17], [sflag:$0x1], $0x80, s21, s18, $0xb8;
	[tilespmem:$0x19400] =	vst v63  }
0xcc: {  	_ = 	snop  }
0xcd: {  	[spmem:s1] =	stream.indirect.scatter.add.f32 [tilespmem:s17], [sflag:$0x1], $0x80, s22, s18, $0xb8;
	[tilespmem:$0x19400] =	vst v63  }
0xce: {  	_ = 	snop  }
0xcf: {  	[spmem:s1] =	stream.indirect.scatter.add.f32 [tilespmem:s17], [sflag:$0x1], $0x80, s23, s18, $0xb8;
	[tilespmem:$0x19400] =	vst v63  }
0xd0: {  	_ = 	snop  }
0xd1: {  	[spmem:s1] =	stream.indirect.scatter.add.f32 [tilespmem:s17], [sflag:$0x1], $0x80, s24, s18, $0xb8;
	[tilespmem:$0x19400] =	vst v63  }
0xd2: {  	_ = 	snop  }
0xd3: {  	[spmem:s1] =	stream.indirect.scatter.add.f32 [tilespmem:s17], [sflag:$0x1], $0x80, s25, s18, $0xb8;
	[tilespmem:$0x19400] =	vst v63  }
0xd4: {  	_ = 	snop  }
0xd5: {  	[spmem:s1] =	stream.indirect.scatter.add.f32 [tilespmem:s17], [sflag:$0x1], $0x80, s26, s18, $0xb8;
	[tilespmem:$0x19400] =	vst v63  }
0xd6: {  	_ = 	snop  }
0xd7: {  	[spmem:s1] =	stream.indirect.scatter.add.f32 [tilespmem:s17], [sflag:$0x1], $0x80, s28, s18, $0xb8;
	[tilespmem:$0x19400] =	vst v63  }
0xd8: {  	_ = 	snop  }
0xd9: {  	[spmem:s1] =	stream.indirect.scatter.add.f32 [tilespmem:s17], [sflag:$0x1], $0x80, s29, s18, $0xb8;
	[tilespmem:$0x19400] =	vst v63  }
0xda: {  	_ = 	snop  }
0xdb: {  	[spmem:s1] =	stream.indirect.scatter.add.f32 [tilespmem:s17], [sflag:$0x1], $0x80, s30, s18, $0xb8;
	[tilespmem:$0x19400] =	vst v63  }
0xdc: {  	_ = 	snop  }
0xdd: {  	[spmem:s1] =	stream.indirect.scatter.add.f32 [tilespmem:s17], [sflag:$0x1], $0x80, s31, s18, $0xb8;
	[tilespmem:$0x19400] =	vst v63  }
0xde: {  	_ = 	snop  }
0xdf: {  	[spmem:s1] =	stream.indirect.scatter.add.f32 [tilespmem:s17], [sflag:$0x1], $0x80, s0, s18, $0xb8;
	[tilespmem:$0x19400] =	vst v63  }
0xe0: {  	_ = 	snop  }
0xe1: {  	[spmem:s1] =	stream.indirect.scatter.add.f32 [tilespmem:s17], [sflag:$0x1], $0x80, s2, s18, $0xb8;
	[tilespmem:$0x19400] =	vst v63  }
0xe2: {  	_ = 	snop  }
0xe3: {  	[spmem:s1] =	stream.indirect.scatter.add.f32 [tilespmem:s17], [sflag:$0x1], $0x80, s5, s18, $0xb8;
	[tilespmem:$0x19400] =	vst v63  }
0xe4: {  	_ =	swait.ge [sflag:s7], $0x4000  }
0xe5: {  	s9 =	simm.s32 $0x27;
	[sflag:s7] =	ssyncset.done $0x0  }
.LBB2_4:
0xe6: {  	p0 =	sne.s32 s9, $0x1;
	s9 =	sadd.s32 $0xFFFFFFFF, s9;
	[sflag:s7] =	ssyncadd.s32 $0xFFFFC000  }
.Ltmp1:
0xe7: {  	(pc) =	sbr.rel @p0 .LBB2_4-.Ltmp1, $3  }
0xe8: {  	_ =	sdelay $0x1  }
0xe9: {  	_ =	swait.ge [sflag:s7], $0x4000  }
0xea: {  	[sflag:s7] =	ssyncset.done $0x0  }
0xeb: {  	[sflag:s7] =	ssyncadd.s32 $0xFFFFC000  }
0xec: {  	[bflag:$0x0] =	sbarrier.arrive $0xFFFF  }
0xed: {  	s9 =	rddreg [dreg:$0x6]  }
0xee: {  	[hbm:s9], [sflag:s6] =	dma.local [spmem:s11], $0x2800  }
0xef: {  	_ =	swait.ge [sflag:s12], $0x2800  }
0xf0: {  	s8 =	sadd.s32 $0x1, s8;
	s9 =	rddreg [dreg:$0x7]  }
0xf1: {  	p0 =	sne.s32 s8, s9  }
.Ltmp2:
0xf2: {  	_ = 	snop;
	(pc) =	sbr.rel @p0 .LBB2_1-.Ltmp2, $3  }
0xf3: {  	_ =	sdelay $0x1  }
0xf4: {  	[sflag:s12] =	ssyncset.done $0x0  }
0xf5: {  	[sflag:s12] =	ssyncadd.s32 $0xFFFFD800  }
0xf6: {  	_ =	sfence.sel $0x180000  }
0xf7: {  	[bflag:$0x0] =	sbarrier.arrive $0xFFFF  }
0xf8: {  	_ =	strace $0x90000047  }
0xf9: {  	s0 =	stileid.u32;
	[bflag:$0x2] =	sbarrier.arrive $0xFFFF  }
0xfa: {  	p0 =	sne.s32 s0, $0x0;
	s0 =	rddreg [dreg:$0x2]  }
0xfb: {  	s0 =	sadd.s32 @!p0 $0x100000, s0  }
0xfc: {  	[sflag:s0] =	ssyncadd.tile.s32 @!p0 $0x1;
	_ =	shalt  }
.Lfunc_end2:
_tile_overlayer_lowered:
.L_overlay_start_2:
0xfd: {  	(tag) =	ssettag $0x2  }
0xfe: {  	s0 =	rddreg [dreg:$0x0];
	s2 =	stileid.u32  }
0xff: {  	s1 =	rddreg [dreg:$0x1];
	p0 =	sne.s32 s2, $0x0  }
0x100: {  	s3 =	rddreg [dreg:$0x2];
	[bflag:$0x3] =	sbarrier.arrive $0xFFFF;
	s2 =	simm.s32 @!p0 $0x1C02  }
0x101: {  	[timem:s3], [sflag:s2] =	dma.local @!p0 [hbm:s0], s1  }
0x102: {  	s0 =	simm.s32 @!p0 $0x2  }
0x103: {  	_ =	swait.ge @!p0 [sflag:s0], s1  }
0x104: {  	s1 =	ssub.s32 @!p0 $0x0, s1;
	[sflag:s0] =	ssyncset.done @!p0 $0x0  }
0x105: {  	[sflag:s0] =	ssyncadd.s32 @!p0 s1  }
0x106: {  	[bflag:$0x3] =	sbarrier.arrive $0xFFFF  }
0x107: {  	_ =	shalt  }

</sc_bundles>
